<compile_context>
chip_gen: v7x
topology: tpu7x:2x2x1
jax: 0.10.2.dev20260603
libtpu: 0.0.44.dev20260713+nightly
codegen_flags: <defaults>
</compile_context>

<pallas_src>
import functools

import jax
import jax.numpy as jnp
from jax import lax
from jax.experimental import pallas as pl
from jax.experimental.pallas import tpu as pltpu
from jax.experimental.pallas import tpu_sc as plsc

EPS = 1e-12


@functools.cache
def _make_sc_gather(nb, seq, V, D, Bc, off):
    info = plsc.get_sparse_core_info()
    NC, NS = info.num_cores, info.num_subcores
    NW = NC * NS
    assert Bc % NW == 0
    b_per_w = Bc // NW
    assert seq % b_per_w == 0
    CH = min(128, b_per_w)
    assert b_per_w % CH == 0
    n_ch = b_per_w // CH
    mesh = plsc.VectorSubcoreMesh(core_axis_name="c", subcore_axis_name="s")

    @functools.partial(
        pl.kernel,
        mesh=mesh,
        out_type=jax.ShapeDtypeStruct((Bc, D), jnp.float32),
        scratch_types=[
            pltpu.VMEM((b_per_w,), jnp.int32),
            pltpu.VMEM((b_per_w, D), jnp.float32),
        ]
        + [pltpu.SemaphoreType.DMA] * n_ch,
    )
    def gather(idx_hbm, table_hbm, out_hbm, idx_v, rows_v, *sems):
        wid = lax.axis_index("s") * NC + lax.axis_index("c")
        base = wid * b_per_w
        flat = off + base
        row = flat // seq
        col = flat % seq
        pltpu.sync_copy(idx_hbm.at[row, pl.ds(col, b_per_w)], idx_v)
        gathers = [
            pltpu.async_copy(
                table_hbm.at[idx_v.at[pl.ds(j * CH, CH)]],
                rows_v.at[pl.ds(j * CH, CH)],
                sems[j],
            )
            for j in range(n_ch)
        ]
        for g in gathers:
            g.wait()
        pltpu.sync_copy(rows_v, out_hbm.at[pl.ds(base, b_per_w)])

    return gather


def _proj_body(x_hbm, g_ref, bt_ref, w_ref, b_ref, o_hbm, xb, ob, sx, so,
               *, S, BT, NB, off):
    def xcopy(s):
        return pltpu.make_async_copy(
            x_hbm.at[pl.ds(s * BT, BT)], xb.at[s % NB], sx.at[s % NB]
        )

    def ocopy(s):
        return pltpu.make_async_copy(
            ob.at[s % NB], o_hbm.at[pl.ds(off + s * BT, BT)], so.at[s % NB]
        )

    for s in range(min(NB, S)):
        xcopy(s).start()
    gam = g_ref[...][None, :]
    bet = bt_ref[...][None, :]
    w = w_ref[...]
    bias = b_ref[...][None, :]
    for s in range(S):
        xcopy(s).wait()
        x = xb[s % NB]
        mean = jnp.mean(x, axis=1, keepdims=True)
        xc = x - mean
        var = jnp.mean(xc * xc, axis=1, keepdims=True)
        xn = xc * lax.rsqrt(var + EPS) * gam + bet
        if s >= NB:
            ocopy(s - NB).wait()
        ob[s % NB] = jnp.dot(xn, w, preferred_element_type=jnp.float32) + bias
        ocopy(s).start()
        if s + NB < S:
            xcopy(s + NB).start()
    for s in range(max(S - NB, 0), S):
        ocopy(s).wait()


@functools.cache
def _make_tc_proj(B, Bc, D, H, BT, NB, off, first):
    S = Bc // BT
    vmem = pltpu.MemorySpace.VMEM
    in_specs = [
        pl.BlockSpec(memory_space=pl.ANY),
        pl.BlockSpec(memory_space=vmem),
        pl.BlockSpec(memory_space=vmem),
        pl.BlockSpec(memory_space=vmem),
        pl.BlockSpec(memory_space=vmem),
    ]
    scratch = [
        pltpu.VMEM((NB, BT, D), jnp.float32),
        pltpu.VMEM((NB, BT, H), jnp.float32),
        pltpu.SemaphoreType.DMA((NB,)),
        pltpu.SemaphoreType.DMA((NB,)),
    ]
    out_shape = jax.ShapeDtypeStruct((B, H), jnp.float32)
    body = functools.partial(_proj_body, S=S, BT=BT, NB=NB, off=off)
    if first:
        return pl.pallas_call(
            body,
            in_specs=in_specs,
            out_specs=pl.BlockSpec(memory_space=pl.ANY),
            out_shape=out_shape,
            scratch_shapes=scratch,
        )

    def body_acc(x_hbm, g_ref, bt_ref, w_ref, b_ref, acc_ref, o_hbm, *sc):
        del acc_ref
        body(x_hbm, g_ref, bt_ref, w_ref, b_ref, o_hbm, *sc)

    return pl.pallas_call(
        body_acc,
        in_specs=in_specs + [pl.BlockSpec(memory_space=pl.ANY)],
        out_specs=pl.BlockSpec(memory_space=pl.ANY),
        out_shape=out_shape,
        scratch_shapes=scratch,
        input_output_aliases={5: 0},
    )


@jax.jit
def kernel(input_ids, table, gamma, beta, W, b):
    nb, seq = input_ids.shape
    V, D = table.shape
    H = W.shape[1]
    B = nb * seq
    C = 1
    BT = 512
    NB = 8
    Bc = B // C
    rows = [
        _make_sc_gather(nb, seq, V, D, Bc, c * Bc)(input_ids, table)
        for c in range(C)
    ]
    acc = _make_tc_proj(B, Bc, D, H, BT, NB, 0, True)(
        rows[0], gamma, beta, W, b
    )
    for c in range(1, C):
        acc = _make_tc_proj(B, Bc, D, H, BT, NB, c * Bc, False)(
            rows[c], gamma, beta, W, b, acc
        )
    return acc.reshape(nb, seq, H)

# --- scband reference (transcript-rebuilt; emitter-appended) ---
"""Pipeline reference for scband-embeddings-32993938768539 (READ-ONLY COPY).

The authoritative reference and input builder live on the scoring server;
editing this copy changes nothing except your own understanding.
"""

import jax, jax.numpy as jnp
import numpy as np

VOCAB = 100000
EMB = 128
HID = 1024
EPS = 1e-12

def setup_inputs(seed: int = 0) -> dict:
    key = jax.random.key(seed)
    k1, k2, k3, k4 = jax.random.split(key, 4)
    input_ids = jax.random.randint(k1, (4, 2048), 0, VOCAB, dtype=jnp.int64 if jax.config.read('jax_enable_x64') else jnp.int32)
    table = jax.random.normal(k2, (VOCAB, EMB), dtype=jnp.float32) * 0.02
    gamma = jnp.ones((EMB,), dtype=jnp.float32)
    beta = jnp.zeros((EMB,), dtype=jnp.float32)
    W = jax.random.normal(k3, (EMB, HID), dtype=jnp.float32) * 0.02
    b = jnp.zeros((HID,), dtype=jnp.float32)
    return {"input_ids": input_ids, "table": table, "gamma": gamma, "beta": beta, "W": W, "b": b}

def reference(input_ids, table, gamma, beta, W, b):
    # word embedding lookup (gather)
    emb = jnp.take(table, input_ids, axis=0)
    # LayerNorm over last dim
    mean = jnp.mean(emb, axis=-1, keepdims=True)
    var = jnp.mean(jnp.square(emb - mean), axis=-1, keepdims=True)
    emb = (emb - mean) / jnp.sqrt(var + EPS)
    emb = emb * gamma + beta
    # dropout is identity in eval mode
    # embedding_hidden_mapping_in (embedding_size < hidden_size)
    out = jnp.dot(emb, W) + b
    return out

if __name__ == "__main__":
    import jax
    _d = setup_inputs()
    print(jax.jit(kernel)(*tuple(_d.values())))

</pallas_src>

<mosaic_0001>
#map = affine_map<(d0, d1) -> (0, 0)>
module attributes {stable_mosaic.version = 14 : i64} {
  func.func @gather(%arg0: i32, %arg1: i32, %arg2: memref<4x2048xi32, #tpu.memory_space<hbm>>, %arg3: memref<100000x128xf32, #tpu.memory_space<hbm>>, %arg4: memref<8192x128xf32, #tpu.memory_space<hbm>>, %arg5: memref<256xi32, #tpu.memory_space<vmem>>, %arg6: memref<256x128xf32, #tpu.memory_space<vmem>>, %arg7: memref<!tpu.dma_semaphore, #tpu.memory_space<semaphore_mem>>, %arg8: memref<!tpu.dma_semaphore, #tpu.memory_space<semaphore_mem>>) attributes {dimension_semantics = [#tpu.dimension_semantics<core_parallel>, #tpu.dimension_semantics<subcore_parallel>], iteration_bounds = array<i64: 2, 16>, scalar_prefetch = 0 : i64, scratch_operands = 4 : i64, tpu.core_type = #tpu.core_type<sc_vector_subcore>, window_params = [{transform_indices = #map}, {transform_indices = #map}, {transform_indices = #map}]} {
    %mul3A = arith.constant 2 : i32
    %mul3A_0 = arith.muli %arg1, %mul3A : i32
    %add3A = arith.addi %mul3A_0, %arg0 : i32
    %mul3A_1 = arith.constant 256 : i32
    %mul3A_2 = arith.muli %add3A, %mul3A_1 : i32
    %add3A_3 = arith.constant 0 : i32
    %add3A_4 = arith.addi %add3A_3, %mul3A_2 : i32
    %jit3A = arith.constant 2048 : i32
    %div3A = arith.divsi %add3A_4, %jit3A : i32
    %sign3A = arith.constant 0 : i32
    %sign3A_5 = arith.cmpi sgt, %add3A_4, %sign3A : i32
    %sign3A_6 = arith.extui %sign3A_5 : i1 to i32
    %sign3A_7 = arith.constant 0 : i32
    %sign3A_8 = arith.cmpi slt, %add3A_4, %sign3A_7 : i32
    %sign3A_9 = arith.extui %sign3A_8 : i1 to i32
    %sign3A_10 = arith.subi %sign3A_6, %sign3A_9 : i32
    %sign3A_11 = arith.constant 0 : i32
    %sign3A_12 = arith.cmpi sgt, %jit3A, %sign3A_11 : i32
    %sign3A_13 = arith.extui %sign3A_12 : i1 to i32
    %sign3A_14 = arith.constant 0 : i32
    %sign3A_15 = arith.cmpi slt, %jit3A, %sign3A_14 : i32
    %sign3A_16 = arith.extui %sign3A_15 : i1 to i32
    %sign3A_17 = arith.subi %sign3A_13, %sign3A_16 : i32
    %ne3A = arith.cmpi ne, %sign3A_10, %sign3A_17 : i32
    %rem3A = arith.remsi %add3A_4, %jit3A : i32
    %ne3A_18 = arith.constant 0 : i32
    %ne3A_19 = arith.cmpi ne, %rem3A, %ne3A_18 : i32
    %and3A = arith.andi %ne3A, %ne3A_19 : i1
    %sub3A = arith.constant 1 : i32
    %sub3A_20 = arith.subi %div3A, %sub3A : i32
    %select_n3A = arith.select %and3A, %sub3A_20, %div3A : i32
    %jit3A_21 = arith.constant 2048 : i32
    %eq3A = arith.constant 0 : i32
    %eq3A_22 = arith.cmpi eq, %jit3A_21, %eq3A : i32
    %jit3A_23 = arith.constant 1 : i32
    %select_n3A_24 = arith.select %eq3A_22, %jit3A_23, %jit3A_21 : i32
    %rem3A_25 = arith.remsi %add3A_4, %select_n3A_24 : i32
    %ne3A_26 = arith.constant 0 : i32
    %ne3A_27 = arith.cmpi ne, %rem3A_25, %ne3A_26 : i32
    %lt3A = arith.constant 0 : i32
    %lt3A_28 = arith.cmpi slt, %rem3A_25, %lt3A : i32
    %lt3A_29 = arith.constant 0 : i32
    %lt3A_30 = arith.cmpi slt, %select_n3A_24, %lt3A_29 : i32
    %ne3A_31 = arith.xori %lt3A_28, %lt3A_30 : i1
    %and3A_32 = arith.andi %ne3A_31, %ne3A_27 : i1
    %add3A_33 = arith.addi %rem3A_25, %select_n3A_24 : i32
    %select_n3A_34 = arith.select %and3A_32, %add3A_33, %rem3A_25 : i32
    "tpu.region"() ({
      %run_scoped3A = tpu.sem_alloc : memref<!tpu.dma_semaphore, #tpu.memory_space<semaphore_mem>>
      %dma_start3A_65 = tpu.memref_slice %arg2[%select_n3A, %select_n3A_34] : memref<4x2048xi32, #tpu.memory_space<hbm>> -> memref<1x256xi32, #tpu.memory_space<hbm>>
      %dma_start3A_66 = tpu.memref_squeeze %dma_start3A_65 : memref<1x256xi32, #tpu.memory_space<hbm>> -> memref<256xi32, #tpu.memory_space<hbm>>
      %dma_start3A_67 = tpu.memref_slice %arg2[%select_n3A, %select_n3A_34] : memref<4x2048xi32, #tpu.memory_space<hbm>> -> memref<1x256xi32, #tpu.memory_space<hbm>>
      %dma_start3A_68 = tpu.memref_squeeze %dma_start3A_67 : memref<1x256xi32, #tpu.memory_space<hbm>> -> memref<256xi32, #tpu.memory_space<hbm>>
      tpu.enqueue_dma source(%dma_start3A_68 : memref<256xi32, #tpu.memory_space<hbm>>) target(%arg5 : memref<256xi32, #tpu.memory_space<vmem>>) target_semaphore(%run_scoped3A : memref<!tpu.dma_semaphore, #tpu.memory_space<semaphore_mem>>)
      %dma_wait3A_69 = tpu.memref_slice %arg2[%select_n3A, %select_n3A_34] : memref<4x2048xi32, #tpu.memory_space<hbm>> -> memref<1x256xi32, #tpu.memory_space<hbm>>
      %dma_wait3A_70 = tpu.memref_squeeze %dma_wait3A_69 : memref<1x256xi32, #tpu.memory_space<hbm>> -> memref<256xi32, #tpu.memory_space<hbm>>
      %dma_wait3A_71 = tpu.memref_slice %arg2[%select_n3A, %select_n3A_34] : memref<4x2048xi32, #tpu.memory_space<hbm>> -> memref<1x256xi32, #tpu.memory_space<hbm>>
      %dma_wait3A_72 = tpu.memref_squeeze %dma_wait3A_71 : memref<1x256xi32, #tpu.memory_space<hbm>> -> memref<256xi32, #tpu.memory_space<hbm>>
      tpu.wait_dma2 semaphore(%run_scoped3A : memref<!tpu.dma_semaphore, #tpu.memory_space<semaphore_mem>>) src(%dma_wait3A_72 : memref<256xi32, #tpu.memory_space<hbm>>) dst(%arg5 : memref<256xi32, #tpu.memory_space<vmem>>)
      tpu.yield
    }) : () -> ()
    %dma_start3A = arith.constant 0 : i32
    %dma_start3A_35 = arith.constant 0 : i32
    %dma_start3A_36 = tpu.memref_slice %arg6[%dma_start3A, %dma_start3A_35] : memref<256x128xf32, #tpu.memory_space<vmem>> -> memref<128x128xf32, #tpu.memory_space<vmem>>
    %dma_start3A_37 = arith.constant 0 : i32
    %dma_start3A_38 = tpu.memref_slice %arg5[%dma_start3A_37] : memref<256xi32, #tpu.memory_space<vmem>> -> memref<128xi32, #tpu.memory_space<vmem>>
    %dma_start3A_39 = arith.constant 0 : i32
    %dma_start3A_40 = arith.constant 0 : i32
    %dma_start3A_41 = tpu.memref_slice %arg3[%dma_start3A_39, %dma_start3A_40] : memref<100000x128xf32, #tpu.memory_space<hbm>> -> memref<100000x128xf32, #tpu.memory_space<hbm>>
    tpu.enqueue_indirect_dma source(%dma_start3A_41 : memref<100000x128xf32, #tpu.memory_space<hbm>>) target(%dma_start3A_36 : memref<128x128xf32, #tpu.memory_space<vmem>>) offsets(%dma_start3A_38 : memref<128xi32, #tpu.memory_space<vmem>>) semaphore(%arg7 : memref<!tpu.dma_semaphore, #tpu.memory_space<semaphore_mem>>)
    %dma_start3A_42 = arith.constant 128 : i32
    %dma_start3A_43 = arith.constant 0 : i32
    %dma_start3A_44 = tpu.memref_slice %arg6[%dma_start3A_42, %dma_start3A_43] : memref<256x128xf32, #tpu.memory_space<vmem>> -> memref<128x128xf32, #tpu.memory_space<vmem>>
    %dma_start3A_45 = arith.constant 128 : i32
    %dma_start3A_46 = tpu.memref_slice %arg5[%dma_start3A_45] : memref<256xi32, #tpu.memory_space<vmem>> -> memref<128xi32, #tpu.memory_space<vmem>>
    %dma_start3A_47 = arith.constant 0 : i32
    %dma_start3A_48 = arith.constant 0 : i32
    %dma_start3A_49 = tpu.memref_slice %arg3[%dma_start3A_47, %dma_start3A_48] : memref<100000x128xf32, #tpu.memory_space<hbm>> -> memref<100000x128xf32, #tpu.memory_space<hbm>>
    tpu.enqueue_indirect_dma source(%dma_start3A_49 : memref<100000x128xf32, #tpu.memory_space<hbm>>) target(%dma_start3A_44 : memref<128x128xf32, #tpu.memory_space<vmem>>) offsets(%dma_start3A_46 : memref<128xi32, #tpu.memory_space<vmem>>) semaphore(%arg8 : memref<!tpu.dma_semaphore, #tpu.memory_space<semaphore_mem>>)
    %dma_wait3A = arith.constant 0 : i32
    %dma_wait3A_50 = arith.constant 0 : i32
    %dma_wait3A_51 = tpu.memref_slice %arg6[%dma_wait3A, %dma_wait3A_50] : memref<256x128xf32, #tpu.memory_space<vmem>> -> memref<128x128xf32, #tpu.memory_space<vmem>>
    %dma_wait3A_52 = arith.constant 0 : i32
    %dma_wait3A_53 = tpu.memref_slice %arg5[%dma_wait3A_52] : memref<256xi32, #tpu.memory_space<vmem>> -> memref<128xi32, #tpu.memory_space<vmem>>
    %dma_wait3A_54 = arith.constant 0 : i32
    %dma_wait3A_55 = arith.constant 0 : i32
    %dma_wait3A_56 = tpu.memref_slice %arg3[%dma_wait3A_54, %dma_wait3A_55] : memref<100000x128xf32, #tpu.memory_space<hbm>> -> memref<100000x128xf32, #tpu.memory_space<hbm>>
    tpu.wait_indirect_dma semaphore(%arg7 : memref<!tpu.dma_semaphore, #tpu.memory_space<semaphore_mem>>) src(%dma_wait3A_56 : memref<100000x128xf32, #tpu.memory_space<hbm>>) dst(%dma_wait3A_51 : memref<128x128xf32, #tpu.memory_space<vmem>>)
    %dma_wait3A_57 = arith.constant 128 : i32
    %dma_wait3A_58 = arith.constant 0 : i32
    %dma_wait3A_59 = tpu.memref_slice %arg6[%dma_wait3A_57, %dma_wait3A_58] : memref<256x128xf32, #tpu.memory_space<vmem>> -> memref<128x128xf32, #tpu.memory_space<vmem>>
    %dma_wait3A_60 = arith.constant 128 : i32
    %dma_wait3A_61 = tpu.memref_slice %arg5[%dma_wait3A_60] : memref<256xi32, #tpu.memory_space<vmem>> -> memref<128xi32, #tpu.memory_space<vmem>>
    %dma_wait3A_62 = arith.constant 0 : i32
    %dma_wait3A_63 = arith.constant 0 : i32
    %dma_wait3A_64 = tpu.memref_slice %arg3[%dma_wait3A_62, %dma_wait3A_63] : memref<100000x128xf32, #tpu.memory_space<hbm>> -> memref<100000x128xf32, #tpu.memory_space<hbm>>
    tpu.wait_indirect_dma semaphore(%arg8 : memref<!tpu.dma_semaphore, #tpu.memory_space<semaphore_mem>>) src(%dma_wait3A_64 : memref<100000x128xf32, #tpu.memory_space<hbm>>) dst(%dma_wait3A_59 : memref<128x128xf32, #tpu.memory_space<vmem>>)
    "tpu.region"() ({
      %run_scoped3A = tpu.sem_alloc : memref<!tpu.dma_semaphore, #tpu.memory_space<semaphore_mem>>
      %dma_start3A_65 = arith.constant 0 : i32
      %dma_start3A_66 = tpu.memref_slice %arg4[%mul3A_2, %dma_start3A_65] : memref<8192x128xf32, #tpu.memory_space<hbm>> -> memref<256x128xf32, #tpu.memory_space<hbm>>
      %dma_start3A_67 = arith.constant 0 : i32
      %dma_start3A_68 = tpu.memref_slice %arg4[%mul3A_2, %dma_start3A_67] : memref<8192x128xf32, #tpu.memory_space<hbm>> -> memref<256x128xf32, #tpu.memory_space<hbm>>
      tpu.enqueue_dma source(%arg6 : memref<256x128xf32, #tpu.memory_space<vmem>>) target(%dma_start3A_68 : memref<256x128xf32, #tpu.memory_space<hbm>>) target_semaphore(%run_scoped3A : memref<!tpu.dma_semaphore, #tpu.memory_space<semaphore_mem>>)
      %dma_wait3A_69 = arith.constant 0 : i32
      %dma_wait3A_70 = tpu.memref_slice %arg4[%mul3A_2, %dma_wait3A_69] : memref<8192x128xf32, #tpu.memory_space<hbm>> -> memref<256x128xf32, #tpu.memory_space<hbm>>
      %dma_wait3A_71 = arith.constant 0 : i32
      %dma_wait3A_72 = tpu.memref_slice %arg4[%mul3A_2, %dma_wait3A_71] : memref<8192x128xf32, #tpu.memory_space<hbm>> -> memref<256x128xf32, #tpu.memory_space<hbm>>
      tpu.wait_dma2 semaphore(%run_scoped3A : memref<!tpu.dma_semaphore, #tpu.memory_space<semaphore_mem>>) src(%arg6 : memref<256x128xf32, #tpu.memory_space<vmem>>) dst(%dma_wait3A_72 : memref<256x128xf32, #tpu.memory_space<hbm>>)
      tpu.yield
    }) : () -> ()
    return
  }
}

module attributes {stable_mosaic.version = 14 : i64} {
  func.func @_proj_body(%arg0: memref<8192x128xf32, #tpu.memory_space<any>>, %arg1: memref<128xf32, #tpu.memory_space<vmem>>, %arg2: memref<128xf32, #tpu.memory_space<vmem>>, %arg3: memref<128x1024xf32, #tpu.memory_space<vmem>>, %arg4: memref<1024xf32, #tpu.memory_space<vmem>>, %arg5: memref<8192x1024xf32, #tpu.memory_space<any>>, %arg6: memref<8x512x128xf32, #tpu.memory_space<vmem>>, %arg7: memref<8x512x1024xf32, #tpu.memory_space<vmem>>, %arg8: memref<8x!tpu.dma_semaphore, #tpu.memory_space<semaphore_mem>>, %arg9: memref<8x!tpu.dma_semaphore, #tpu.memory_space<semaphore_mem>>) attributes {dimension_semantics = [], scalar_prefetch = 0 : i64, scratch_operands = 4 : i64, tpu.core_type = #tpu.core_type<tc>} {
    %dma_start3A = arith.constant 0 : i32
    %dma_start3A_0 = arith.constant 0 : i32
    %dma_start3A_1 = tpu.memref_slice %arg8[%dma_start3A_0] : memref<8x!tpu.dma_semaphore, #tpu.memory_space<semaphore_mem>> -> memref<1x!tpu.dma_semaphore, #tpu.memory_space<semaphore_mem>>
    %dma_start3A_2 = tpu.memref_squeeze %dma_start3A_1 : memref<1x!tpu.dma_semaphore, #tpu.memory_space<semaphore_mem>> -> memref<!tpu.dma_semaphore, #tpu.memory_space<semaphore_mem>>
    %dma_start3A_3 = arith.constant 0 : i32
    %dma_start3A_4 = arith.constant 0 : i32
    %dma_start3A_5 = tpu.memref_slice %arg6[%dma_start3A, %dma_start3A_3, %dma_start3A_4] : memref<8x512x128xf32, #tpu.memory_space<vmem>> -> memref<1x512x128xf32, #tpu.memory_space<vmem>>
    %dma_start3A_6 = tpu.memref_squeeze %dma_start3A_5 : memref<1x512x128xf32, #tpu.memory_space<vmem>> -> memref<512x128xf32, #tpu.memory_space<vmem>>
    %dma_start3A_7 = arith.constant 0 : i32
    %dma_start3A_8 = arith.constant 0 : i32
    %dma_start3A_9 = tpu.memref_slice %arg0[%dma_start3A_7, %dma_start3A_8] : memref<8192x128xf32, #tpu.memory_space<any>> -> memref<512x128xf32, #tpu.memory_space<any>>
    tpu.enqueue_dma source(%dma_start3A_9 : memref<512x128xf32, #tpu.memory_space<any>>) target(%dma_start3A_6 : memref<512x128xf32, #tpu.memory_space<vmem>>) target_semaphore(%dma_start3A_2 : memref<!tpu.dma_semaphore, #tpu.memory_space<semaphore_mem>>)
    %dma_start3A_10 = arith.constant 1 : i32
    %dma_start3A_11 = arith.constant 1 : i32
    %dma_start3A_12 = tpu.memref_slice %arg8[%dma_start3A_11] : memref<8x!tpu.dma_semaphore, #tpu.memory_space<semaphore_mem>> -> memref<1x!tpu.dma_semaphore, #tpu.memory_space<semaphore_mem>>
    %dma_start3A_13 = tpu.memref_squeeze %dma_start3A_12 : memref<1x!tpu.dma_semaphore, #tpu.memory_space<semaphore_mem>> -> memref<!tpu.dma_semaphore, #tpu.memory_space<semaphore_mem>>
    %dma_start3A_14 = arith.constant 0 : i32
    %dma_start3A_15 = arith.constant 0 : i32
    %dma_start3A_16 = tpu.memref_slice %arg6[%dma_start3A_10, %dma_start3A_14, %dma_start3A_15] : memref<8x512x128xf32, #tpu.memory_space<vmem>> -> memref<1x512x128xf32, #tpu.memory_space<vmem>>
    %dma_start3A_17 = tpu.memref_squeeze %dma_start3A_16 : memref<1x512x128xf32, #tpu.memory_space<vmem>> -> memref<512x128xf32, #tpu.memory_space<vmem>>
    %dma_start3A_18 = arith.constant 512 : i32
    %dma_start3A_19 = arith.constant 0 : i32
    %dma_start3A_20 = tpu.memref_slice %arg0[%dma_start3A_18, %dma_start3A_19] : memref<8192x128xf32, #tpu.memory_space<any>> -> memref<512x128xf32, #tpu.memory_space<any>>
    tpu.enqueue_dma source(%dma_start3A_20 : memref<512x128xf32, #tpu.memory_space<any>>) target(%dma_start3A_17 : memref<512x128xf32, #tpu.memory_space<vmem>>) target_semaphore(%dma_start3A_13 : memref<!tpu.dma_semaphore, #tpu.memory_space<semaphore_mem>>)
    %dma_start3A_21 = arith.constant 2 : i32
    %dma_start3A_22 = arith.constant 2 : i32
    %dma_start3A_23 = tpu.memref_slice %arg8[%dma_start3A_22] : memref<8x!tpu.dma_semaphore, #tpu.memory_space<semaphore_mem>> -> memref<1x!tpu.dma_semaphore, #tpu.memory_space<semaphore_mem>>
    %dma_start3A_24 = tpu.memref_squeeze %dma_start3A_23 : memref<1x!tpu.dma_semaphore, #tpu.memory_space<semaphore_mem>> -> memref<!tpu.dma_semaphore, #tpu.memory_space<semaphore_mem>>
    %dma_start3A_25 = arith.constant 0 : i32
    %dma_start3A_26 = arith.constant 0 : i32
    %dma_start3A_27 = tpu.memref_slice %arg6[%dma_start3A_21, %dma_start3A_25, %dma_start3A_26] : memref<8x512x128xf32, #tpu.memory_space<vmem>> -> memref<1x512x128xf32, #tpu.memory_space<vmem>>
    %dma_start3A_28 = tpu.memref_squeeze %dma_start3A_27 : memref<1x512x128xf32, #tpu.memory_space<vmem>> -> memref<512x128xf32, #tpu.memory_space<vmem>>
    %dma_start3A_29 = arith.constant 1024 : i32
    %dma_start3A_30 = arith.constant 0 : i32
    %dma_start3A_31 = tpu.memref_slice %arg0[%dma_start3A_29, %dma_start3A_30] : memref<8192x128xf32, #tpu.memory_space<any>> -> memref<512x128xf32, #tpu.memory_space<any>>
    tpu.enqueue_dma source(%dma_start3A_31 : memref<512x128xf32, #tpu.memory_space<any>>) target(%dma_start3A_28 : memref<512x128xf32, #tpu.memory_space<vmem>>) target_semaphore(%dma_start3A_24 : memref<!tpu.dma_semaphore, #tpu.memory_space<semaphore_mem>>)
    %dma_start3A_32 = arith.constant 3 : i32
    %dma_start3A_33 = arith.constant 3 : i32
    %dma_start3A_34 = tpu.memref_slice %arg8[%dma_start3A_33] : memref<8x!tpu.dma_semaphore, #tpu.memory_space<semaphore_mem>> -> memref<1x!tpu.dma_semaphore, #tpu.memory_space<semaphore_mem>>
    %dma_start3A_35 = tpu.memref_squeeze %dma_start3A_34 : memref<1x!tpu.dma_semaphore, #tpu.memory_space<semaphore_mem>> -> memref<!tpu.dma_semaphore, #tpu.memory_space<semaphore_mem>>
    %dma_start3A_36 = arith.constant 0 : i32
    %dma_start3A_37 = arith.constant 0 : i32
    %dma_start3A_38 = tpu.memref_slice %arg6[%dma_start3A_32, %dma_start3A_36, %dma_start3A_37] : memref<8x512x128xf32, #tpu.memory_space<vmem>> -> memref<1x512x128xf32, #tpu.memory_space<vmem>>
    %dma_start3A_39 = tpu.memref_squeeze %dma_start3A_38 : memref<1x512x128xf32, #tpu.memory_space<vmem>> -> memref<512x128xf32, #tpu.memory_space<vmem>>
    %dma_start3A_40 = arith.constant 1536 : i32
    %dma_start3A_41 = arith.constant 0 : i32
    %dma_start3A_42 = tpu.memref_slice %arg0[%dma_start3A_40, %dma_start3A_41] : memref<8192x128xf32, #tpu.memory_space<any>> -> memref<512x128xf32, #tpu.memory_space<any>>
    tpu.enqueue_dma source(%dma_start3A_42 : memref<512x128xf32, #tpu.memory_space<any>>) target(%dma_start3A_39 : memref<512x128xf32, #tpu.memory_space<vmem>>) target_semaphore(%dma_start3A_35 : memref<!tpu.dma_semaphore, #tpu.memory_space<semaphore_mem>>)
    %dma_start3A_43 = arith.constant 4 : i32
    %dma_start3A_44 = arith.constant 4 : i32
    %dma_start3A_45 = tpu.memref_slice %arg8[%dma_start3A_44] : memref<8x!tpu.dma_semaphore, #tpu.memory_space<semaphore_mem>> -> memref<1x!tpu.dma_semaphore, #tpu.memory_space<semaphore_mem>>
    %dma_start3A_46 = tpu.memref_squeeze %dma_start3A_45 : memref<1x!tpu.dma_semaphore, #tpu.memory_space<semaphore_mem>> -> memref<!tpu.dma_semaphore, #tpu.memory_space<semaphore_mem>>
    %dma_start3A_47 = arith.constant 0 : i32
    %dma_start3A_48 = arith.constant 0 : i32
    %dma_start3A_49 = tpu.memref_slice %arg6[%dma_start3A_43, %dma_start3A_47, %dma_start3A_48] : memref<8x512x128xf32, #tpu.memory_space<vmem>> -> memref<1x512x128xf32, #tpu.memory_space<vmem>>
    %dma_start3A_50 = tpu.memref_squeeze %dma_start3A_49 : memref<1x512x128xf32, #tpu.memory_space<vmem>> -> memref<512x128xf32, #tpu.memory_space<vmem>>
    %dma_start3A_51 = arith.constant 2048 : i32
    %dma_start3A_52 = arith.constant 0 : i32
    %dma_start3A_53 = tpu.memref_slice %arg0[%dma_start3A_51, %dma_start3A_52] : memref<8192x128xf32, #tpu.memory_space<any>> -> memref<512x128xf32, #tpu.memory_space<any>>
    tpu.enqueue_dma source(%dma_start3A_53 : memref<512x128xf32, #tpu.memory_space<any>>) target(%dma_start3A_50 : memref<512x128xf32, #tpu.memory_space<vmem>>) target_semaphore(%dma_start3A_46 : memref<!tpu.dma_semaphore, #tpu.memory_space<semaphore_mem>>)
    %dma_start3A_54 = arith.constant 5 : i32
    %dma_start3A_55 = arith.constant 5 : i32
    %dma_start3A_56 = tpu.memref_slice %arg8[%dma_start3A_55] : memref<8x!tpu.dma_semaphore, #tpu.memory_space<semaphore_mem>> -> memref<1x!tpu.dma_semaphore, #tpu.memory_space<semaphore_mem>>
    %dma_start3A_57 = tpu.memref_squeeze %dma_start3A_56 : memref<1x!tpu.dma_semaphore, #tpu.memory_space<semaphore_mem>> -> memref<!tpu.dma_semaphore, #tpu.memory_space<semaphore_mem>>
    %dma_start3A_58 = arith.constant 0 : i32
    %dma_start3A_59 = arith.constant 0 : i32
    %dma_start3A_60 = tpu.memref_slice %arg6[%dma_start3A_54, %dma_start3A_58, %dma_start3A_59] : memref<8x512x128xf32, #tpu.memory_space<vmem>> -> memref<1x512x128xf32, #tpu.memory_space<vmem>>
    %dma_start3A_61 = tpu.memref_squeeze %dma_start3A_60 : memref<1x512x128xf32, #tpu.memory_space<vmem>> -> memref<512x128xf32, #tpu.memory_space<vmem>>
    %dma_start3A_62 = arith.constant 2560 : i32
    %dma_start3A_63 = arith.constant 0 : i32
    %dma_start3A_64 = tpu.memref_slice %arg0[%dma_start3A_62, %dma_start3A_63] : memref<8192x128xf32, #tpu.memory_space<any>> -> memref<512x128xf32, #tpu.memory_space<any>>
    tpu.enqueue_dma source(%dma_start3A_64 : memref<512x128xf32, #tpu.memory_space<any>>) target(%dma_start3A_61 : memref<512x128xf32, #tpu.memory_space<vmem>>) target_semaphore(%dma_start3A_57 : memref<!tpu.dma_semaphore, #tpu.memory_space<semaphore_mem>>)
    %dma_start3A_65 = arith.constant 6 : i32
    %dma_start3A_66 = arith.constant 6 : i32
    %dma_start3A_67 = tpu.memref_slice %arg8[%dma_start3A_66] : memref<8x!tpu.dma_semaphore, #tpu.memory_space<semaphore_mem>> -> memref<1x!tpu.dma_semaphore, #tpu.memory_space<semaphore_mem>>
    %dma_start3A_68 = tpu.memref_squeeze %dma_start3A_67 : memref<1x!tpu.dma_semaphore, #tpu.memory_space<semaphore_mem>> -> memref<!tpu.dma_semaphore, #tpu.memory_space<semaphore_mem>>
    %dma_start3A_69 = arith.constant 0 : i32
    %dma_start3A_70 = arith.constant 0 : i32
    %dma_start3A_71 = tpu.memref_slice %arg6[%dma_start3A_65, %dma_start3A_69, %dma_start3A_70] : memref<8x512x128xf32, #tpu.memory_space<vmem>> -> memref<1x512x128xf32, #tpu.memory_space<vmem>>
    %dma_start3A_72 = tpu.memref_squeeze %dma_start3A_71 : memref<1x512x128xf32, #tpu.memory_space<vmem>> -> memref<512x128xf32, #tpu.memory_space<vmem>>
    %dma_start3A_73 = arith.constant 3072 : i32
    %dma_start3A_74 = arith.constant 0 : i32
    %dma_start3A_75 = tpu.memref_slice %arg0[%dma_start3A_73, %dma_start3A_74] : memref<8192x128xf32, #tpu.memory_space<any>> -> memref<512x128xf32, #tpu.memory_space<any>>
    tpu.enqueue_dma source(%dma_start3A_75 : memref<512x128xf32, #tpu.memory_space<any>>) target(%dma_start3A_72 : memref<512x128xf32, #tpu.memory_space<vmem>>) target_semaphore(%dma_start3A_68 : memref<!tpu.dma_semaphore, #tpu.memory_space<semaphore_mem>>)
    %dma_start3A_76 = arith.constant 7 : i32
    %dma_start3A_77 = arith.constant 7 : i32
    %dma_start3A_78 = tpu.memref_slice %arg8[%dma_start3A_77] : memref<8x!tpu.dma_semaphore, #tpu.memory_space<semaphore_mem>> -> memref<1x!tpu.dma_semaphore, #tpu.memory_space<semaphore_mem>>
    %dma_start3A_79 = tpu.memref_squeeze %dma_start3A_78 : memref<1x!tpu.dma_semaphore, #tpu.memory_space<semaphore_mem>> -> memref<!tpu.dma_semaphore, #tpu.memory_space<semaphore_mem>>
    %dma_start3A_80 = arith.constant 0 : i32
    %dma_start3A_81 = arith.constant 0 : i32
    %dma_start3A_82 = tpu.memref_slice %arg6[%dma_start3A_76, %dma_start3A_80, %dma_start3A_81] : memref<8x512x128xf32, #tpu.memory_space<vmem>> -> memref<1x512x128xf32, #tpu.memory_space<vmem>>
    %dma_start3A_83 = tpu.memref_squeeze %dma_start3A_82 : memref<1x512x128xf32, #tpu.memory_space<vmem>> -> memref<512x128xf32, #tpu.memory_space<vmem>>
    %dma_start3A_84 = arith.constant 3584 : i32
    %dma_start3A_85 = arith.constant 0 : i32
    %dma_start3A_86 = tpu.memref_slice %arg0[%dma_start3A_84, %dma_start3A_85] : memref<8192x128xf32, #tpu.memory_space<any>> -> memref<512x128xf32, #tpu.memory_space<any>>
    tpu.enqueue_dma source(%dma_start3A_86 : memref<512x128xf32, #tpu.memory_space<any>>) target(%dma_start3A_83 : memref<512x128xf32, #tpu.memory_space<vmem>>) target_semaphore(%dma_start3A_79 : memref<!tpu.dma_semaphore, #tpu.memory_space<semaphore_mem>>)
    %get3A = arith.constant 0 : index
    %get3A_87 = vector.load %arg1[%get3A] : memref<128xf32, #tpu.memory_space<vmem>>, vector<128xf32>
    %broadcast_in_dim3A = vector.shape_cast %get3A_87 : vector<128xf32> to vector<1x128xf32>
    %get3A_88 = arith.constant 0 : index
    %get3A_89 = vector.load %arg2[%get3A_88] : memref<128xf32, #tpu.memory_space<vmem>>, vector<128xf32>
    %broadcast_in_dim3A_90 = vector.shape_cast %get3A_89 : vector<128xf32> to vector<1x128xf32>
    %get3A_91 = arith.constant 0 : index
    %get3A_92 = arith.constant 0 : index
    %get3A_93 = vector.load %arg3[%get3A_91, %get3A_92] : memref<128x1024xf32, #tpu.memory_space<vmem>>, vector<128x1024xf32>
    %get3A_94 = arith.constant 0 : index
    %get3A_95 = vector.load %arg4[%get3A_94] : memref<1024xf32, #tpu.memory_space<vmem>>, vector<1024xf32>
    %broadcast_in_dim3A_96 = vector.shape_cast %get3A_95 : vector<1024xf32> to vector<1x1024xf32>
    %dma_wait3A = arith.constant 0 : i32
    %dma_wait3A_97 = arith.constant 0 : i32
    %dma_wait3A_98 = tpu.memref_slice %arg8[%dma_wait3A_97] : memref<8x!tpu.dma_semaphore, #tpu.memory_space<semaphore_mem>> -> memref<1x!tpu.dma_semaphore, #tpu.memory_space<semaphore_mem>>
    %dma_wait3A_99 = tpu.memref_squeeze %dma_wait3A_98 : memref<1x!tpu.dma_semaphore, #tpu.memory_space<semaphore_mem>> -> memref<!tpu.dma_semaphore, #tpu.memory_space<semaphore_mem>>
    %dma_wait3A_100 = arith.constant 0 : i32
    %dma_wait3A_101 = arith.constant 0 : i32
    %dma_wait3A_102 = tpu.memref_slice %arg6[%dma_wait3A, %dma_wait3A_100, %dma_wait3A_101] : memref<8x512x128xf32, #tpu.memory_space<vmem>> -> memref<1x512x128xf32, #tpu.memory_space<vmem>>
    %dma_wait3A_103 = tpu.memref_squeeze %dma_wait3A_102 : memref<1x512x128xf32, #tpu.memory_space<vmem>> -> memref<512x128xf32, #tpu.memory_space<vmem>>
    %dma_wait3A_104 = arith.constant 0 : i32
    %dma_wait3A_105 = arith.constant 0 : i32
    %dma_wait3A_106 = tpu.memref_slice %arg0[%dma_wait3A_104, %dma_wait3A_105] : memref<8192x128xf32, #tpu.memory_space<any>> -> memref<512x128xf32, #tpu.memory_space<any>>
    tpu.wait_dma2 semaphore(%dma_wait3A_99 : memref<!tpu.dma_semaphore, #tpu.memory_space<semaphore_mem>>) src(%dma_wait3A_106 : memref<512x128xf32, #tpu.memory_space<any>>) dst(%dma_wait3A_103 : memref<512x128xf32, #tpu.memory_space<vmem>>)
    %get3A_107 = arith.constant 0 : index
    %get3A_108 = arith.constant 0 : index
    %get3A_109 = arith.constant 0 : index
    %get3A_110 = vector.load %arg6[%get3A_107, %get3A_108, %get3A_109] : memref<8x512x128xf32, #tpu.memory_space<vmem>>, vector<1x512x128xf32>
    %get3A_111 = vector.shape_cast %get3A_110 : vector<1x512x128xf32> to vector<512x128xf32>
    %reduce_sum3A = arith.constant dense<0.000000e+00> : vector<512xf32>
    %reduce_sum3A_112 = vector.multi_reduction <add>, %get3A_111, %reduce_sum3A [1] : vector<512x128xf32> to vector<512xf32>
    %broadcast_in_dim3A_113 = vector.shape_cast %reduce_sum3A_112 : vector<512xf32> to vector<512x1xf32>
    %div3A = arith.constant 1.280000e+02 : f32
    %div3A_114 = vector.broadcast %div3A : f32 to vector<512x1xf32>
    %div3A_115 = arith.divf %broadcast_in_dim3A_113, %div3A_114 : vector<512x1xf32>
    %sub3A = vector.broadcast %div3A_115 : vector<512x1xf32> to vector<512x128xf32>
    %sub3A_116 = arith.subf %get3A_111, %sub3A : vector<512x128xf32>
    %mul3A = arith.mulf %sub3A_116, %sub3A_116 : vector<512x128xf32>
    %reduce_sum3A_117 = arith.constant dense<0.000000e+00> : vector<512xf32>
    %reduce_sum3A_118 = vector.multi_reduction <add>, %mul3A, %reduce_sum3A_117 [1] : vector<512x128xf32> to vector<512xf32>
    %broadcast_in_dim3A_119 = vector.shape_cast %reduce_sum3A_118 : vector<512xf32> to vector<512x1xf32>
    %div3A_120 = arith.constant 1.280000e+02 : f32
    %div3A_121 = vector.broadcast %div3A_120 : f32 to vector<512x1xf32>
    %div3A_122 = arith.divf %broadcast_in_dim3A_119, %div3A_121 : vector<512x1xf32>
    %add3A = arith.constant 9.99999996E-13 : f32
    %add3A_123 = vector.broadcast %add3A : f32 to vector<512x1xf32>
    %add3A_124 = arith.addf %div3A_122, %add3A_123 : vector<512x1xf32>
    %rsqrt3A = math.rsqrt %add3A_124 : vector<512x1xf32>
    %mul3A_125 = vector.broadcast %rsqrt3A : vector<512x1xf32> to vector<512x128xf32>
    %mul3A_126 = arith.mulf %sub3A_116, %mul3A_125 : vector<512x128xf32>
    %mul3A_127 = vector.broadcast %broadcast_in_dim3A : vector<1x128xf32> to vector<512x128xf32>
    %mul3A_128 = arith.mulf %mul3A_126, %mul3A_127 : vector<512x128xf32>
    %add3A_129 = vector.broadcast %broadcast_in_dim3A_90 : vector<1x128xf32> to vector<512x128xf32>
    %add3A_130 = arith.addf %mul3A_128, %add3A_129 : vector<512x128xf32>
    %dot_general3A = arith.constant dense<0.000000e+00> : vector<512x1024xf32>
    %dot_general3A_131 = tpu.matmul %add3A_130, %get3A_93, %dot_general3A {dimension_numbers = #tpu.dot_dimension_numbers<[1], [0], [0], [1], [0, 0, 1, 1], [], []>, transpose_lhs_hint = false} : vector<512x128xf32>, vector<128x1024xf32>, vector<512x1024xf32> -> vector<512x1024xf32>
    %add3A_132 = vector.broadcast %broadcast_in_dim3A_96 : vector<1x1024xf32> to vector<512x1024xf32>
    %add3A_133 = arith.addf %dot_general3A_131, %add3A_132 : vector<512x1024xf32>
    %swap3A = arith.constant 0 : index
    %swap3A_134 = arith.constant 0 : index
    %swap3A_135 = arith.constant 0 : index
    %swap3A_136 = vector.load %arg7[%swap3A, %swap3A_134, %swap3A_135] : memref<8x512x1024xf32, #tpu.memory_space<vmem>>, vector<1x512x1024xf32>
    %swap3A_137 = vector.shape_cast %swap3A_136 : vector<1x512x1024xf32> to vector<512x1024xf32>
    %swap3A_138 = vector.shape_cast %add3A_133 : vector<512x1024xf32> to vector<1x512x1024xf32>
    tpu.vector_store %arg7[%swap3A, %swap3A_134, %swap3A_135], %swap3A_138 {strides = array<i32>} : memref<8x512x1024xf32, #tpu.memory_space<vmem>>, vector<1x512x1024xf32>,
    %dma_start3A_139 = arith.constant 0 : i32
    %dma_start3A_140 = arith.constant 0 : i32
    %dma_start3A_141 = tpu.memref_slice %arg9[%dma_start3A_140] : memref<8x!tpu.dma_semaphore, #tpu.memory_space<semaphore_mem>> -> memref<1x!tpu.dma_semaphore, #tpu.memory_space<semaphore_mem>>
    %dma_start3A_142 = tpu.memref_squeeze %dma_start3A_141 : memref<1x!tpu.dma_semaphore, #tpu.memory_space<semaphore_mem>> -> memref<!tpu.dma_semaphore, #tpu.memory_space<semaphore_mem>>
    %dma_start3A_143 = arith.constant 0 : i32
    %dma_start3A_144 = arith.constant 0 : i32
    %dma_start3A_145 = tpu.memref_slice %arg5[%dma_start3A_143, %dma_start3A_144] : memref<8192x1024xf32, #tpu.memory_space<any>> -> memref<512x1024xf32, #tpu.memory_space<any>>
    %dma_start3A_146 = arith.constant 0 : i32
    %dma_start3A_147 = arith.constant 0 : i32
    %dma_start3A_148 = tpu.memref_slice %arg7[%dma_start3A_139, %dma_start3A_146, %dma_start3A_147] : memref<8x512x1024xf32, #tpu.memory_space<vmem>> -> memref<1x512x1024xf32, #tpu.memory_space<vmem>>
    %dma_start3A_149 = tpu.memref_squeeze %dma_start3A_148 : memref<1x512x1024xf32, #tpu.memory_space<vmem>> -> memref<512x1024xf32, #tpu.memory_space<vmem>>
    tpu.enqueue_dma source(%dma_start3A_149 : memref<512x1024xf32, #tpu.memory_space<vmem>>) target(%dma_start3A_145 : memref<512x1024xf32, #tpu.memory_space<any>>) target_semaphore(%dma_start3A_142 : memref<!tpu.dma_semaphore, #tpu.memory_space<semaphore_mem>>)
    %dma_start3A_150 = arith.constant 0 : i32
    %dma_start3A_151 = arith.constant 0 : i32
    %dma_start3A_152 = tpu.memref_slice %arg8[%dma_start3A_151] : memref<8x!tpu.dma_semaphore, #tpu.memory_space<semaphore_mem>> -> memref<1x!tpu.dma_semaphore, #tpu.memory_space<semaphore_mem>>
    %dma_start3A_153 = tpu.memref_squeeze %dma_start3A_152 : memref<1x!tpu.dma_semaphore, #tpu.memory_space<semaphore_mem>> -> memref<!tpu.dma_semaphore, #tpu.memory_space<semaphore_mem>>
    %dma_start3A_154 = arith.constant 0 : i32
    %dma_start3A_155 = arith.constant 0 : i32
    %dma_start3A_156 = tpu.memref_slice %arg6[%dma_start3A_150, %dma_start3A_154, %dma_start3A_155] : memref<8x512x128xf32, #tpu.memory_space<vmem>> -> memref<1x512x128xf32, #tpu.memory_space<vmem>>
    %dma_start3A_157 = tpu.memref_squeeze %dma_start3A_156 : memref<1x512x128xf32, #tpu.memory_space<vmem>> -> memref<512x128xf32, #tpu.memory_space<vmem>>
    %dma_start3A_158 = arith.constant 4096 : i32
    %dma_start3A_159 = arith.constant 0 : i32
    %dma_start3A_160 = tpu.memref_slice %arg0[%dma_start3A_158, %dma_start3A_159] : memref<8192x128xf32, #tpu.memory_space<any>> -> memref<512x128xf32, #tpu.memory_space<any>>
    tpu.enqueue_dma source(%dma_start3A_160 : memref<512x128xf32, #tpu.memory_space<any>>) target(%dma_start3A_157 : memref<512x128xf32, #tpu.memory_space<vmem>>) target_semaphore(%dma_start3A_153 : memref<!tpu.dma_semaphore, #tpu.memory_space<semaphore_mem>>)
    %dma_wait3A_161 = arith.constant 1 : i32
    %dma_wait3A_162 = arith.constant 1 : i32
    %dma_wait3A_163 = tpu.memref_slice %arg8[%dma_wait3A_162] : memref<8x!tpu.dma_semaphore, #tpu.memory_space<semaphore_mem>> -> memref<1x!tpu.dma_semaphore, #tpu.memory_space<semaphore_mem>>
    %dma_wait3A_164 = tpu.memref_squeeze %dma_wait3A_163 : memref<1x!tpu.dma_semaphore, #tpu.memory_space<semaphore_mem>> -> memref<!tpu.dma_semaphore, #tpu.memory_space<semaphore_mem>>
    %dma_wait3A_165 = arith.constant 0 : i32
    %dma_wait3A_166 = arith.constant 0 : i32
    %dma_wait3A_167 = tpu.memref_slice %arg6[%dma_wait3A_161, %dma_wait3A_165, %dma_wait3A_166] : memref<8x512x128xf32, #tpu.memory_space<vmem>> -> memref<1x512x128xf32, #tpu.memory_space<vmem>>
    %dma_wait3A_168 = tpu.memref_squeeze %dma_wait3A_167 : memref<1x512x128xf32, #tpu.memory_space<vmem>> -> memref<512x128xf32, #tpu.memory_space<vmem>>
    %dma_wait3A_169 = arith.constant 512 : i32
    %dma_wait3A_170 = arith.constant 0 : i32
    %dma_wait3A_171 = tpu.memref_slice %arg0[%dma_wait3A_169, %dma_wait3A_170] : memref<8192x128xf32, #tpu.memory_space<any>> -> memref<512x128xf32, #tpu.memory_space<any>>
    tpu.wait_dma2 semaphore(%dma_wait3A_164 : memref<!tpu.dma_semaphore, #tpu.memory_space<semaphore_mem>>) src(%dma_wait3A_171 : memref<512x128xf32, #tpu.memory_space<any>>) dst(%dma_wait3A_168 : memref<512x128xf32, #tpu.memory_space<vmem>>)
    %get3A_172 = arith.constant 1 : index
    %get3A_173 = arith.constant 0 : index
    %get3A_174 = arith.constant 0 : index
    %get3A_175 = vector.load %arg6[%get3A_172, %get3A_173, %get3A_174] : memref<8x512x128xf32, #tpu.memory_space<vmem>>, vector<1x512x128xf32>
    %get3A_176 = vector.shape_cast %get3A_175 : vector<1x512x128xf32> to vector<512x128xf32>
    %reduce_sum3A_177 = arith.constant dense<0.000000e+00> : vector<512xf32>
    %reduce_sum3A_178 = vector.multi_reduction <add>, %get3A_176, %reduce_sum3A_177 [1] : vector<512x128xf32> to vector<512xf32>
    %broadcast_in_dim3A_179 = vector.shape_cast %reduce_sum3A_178 : vector<512xf32> to vector<512x1xf32>
    %div3A_180 = arith.constant 1.280000e+02 : f32
    %div3A_181 = vector.broadcast %div3A_180 : f32 to vector<512x1xf32>
    %div3A_182 = arith.divf %broadcast_in_dim3A_179, %div3A_181 : vector<512x1xf32>
    %sub3A_183 = vector.broadcast %div3A_182 : vector<512x1xf32> to vector<512x128xf32>
    %sub3A_184 = arith.subf %get3A_176, %sub3A_183 : vector<512x128xf32>
    %mul3A_185 = arith.mulf %sub3A_184, %sub3A_184 : vector<512x128xf32>
    %reduce_sum3A_186 = arith.constant dense<0.000000e+00> : vector<512xf32>
    %reduce_sum3A_187 = vector.multi_reduction <add>, %mul3A_185, %reduce_sum3A_186 [1] : vector<512x128xf32> to vector<512xf32>
    %broadcast_in_dim3A_188 = vector.shape_cast %reduce_sum3A_187 : vector<512xf32> to vector<512x1xf32>
    %div3A_189 = arith.constant 1.280000e+02 : f32
    %div3A_190 = vector.broadcast %div3A_189 : f32 to vector<512x1xf32>
    %div3A_191 = arith.divf %broadcast_in_dim3A_188, %div3A_190 : vector<512x1xf32>
    %add3A_192 = arith.constant 9.99999996E-13 : f32
    %add3A_193 = vector.broadcast %add3A_192 : f32 to vector<512x1xf32>
    %add3A_194 = arith.addf %div3A_191, %add3A_193 : vector<512x1xf32>
    %rsqrt3A_195 = math.rsqrt %add3A_194 : vector<512x1xf32>
    %mul3A_196 = vector.broadcast %rsqrt3A_195 : vector<512x1xf32> to vector<512x128xf32>
    %mul3A_197 = arith.mulf %sub3A_184, %mul3A_196 : vector<512x128xf32>
    %mul3A_198 = vector.broadcast %broadcast_in_dim3A : vector<1x128xf32> to vector<512x128xf32>
    %mul3A_199 = arith.mulf %mul3A_197, %mul3A_198 : vector<512x128xf32>
    %add3A_200 = vector.broadcast %broadcast_in_dim3A_90 : vector<1x128xf32> to vector<512x128xf32>
    %add3A_201 = arith.addf %mul3A_199, %add3A_200 : vector<512x128xf32>
    %dot_general3A_202 = arith.constant dense<0.000000e+00> : vector<512x1024xf32>
    %dot_general3A_203 = tpu.matmul %add3A_201, %get3A_93, %dot_general3A_202 {dimension_numbers = #tpu.dot_dimension_numbers<[1], [0], [0], [1], [0, 0, 1, 1], [], []>, transpose_lhs_hint = false} : vector<512x128xf32>, vector<128x1024xf32>, vector<512x1024xf32> -> vector<512x1024xf32>
    %add3A_204 = vector.broadcast %broadcast_in_dim3A_96 : vector<1x1024xf32> to vector<512x1024xf32>
    %add3A_205 = arith.addf %dot_general3A_203, %add3A_204 : vector<512x1024xf32>
    %swap3A_206 = arith.constant 1 : index
    %swap3A_207 = arith.constant 0 : index
    %swap3A_208 = arith.constant 0 : index
    %swap3A_209 = vector.load %arg7[%swap3A_206, %swap3A_207, %swap3A_208] : memref<8x512x1024xf32, #tpu.memory_space<vmem>>, vector<1x512x1024xf32>
    %swap3A_210 = vector.shape_cast %swap3A_209 : vector<1x512x1024xf32> to vector<512x1024xf32>
    %swap3A_211 = vector.shape_cast %add3A_205 : vector<512x1024xf32> to vector<1x512x1024xf32>
    tpu.vector_store %arg7[%swap3A_206, %swap3A_207, %swap3A_208], %swap3A_211 {strides = array<i32>} : memref<8x512x1024xf32, #tpu.memory_space<vmem>>, vector<1x512x1024xf32>,
    %dma_start3A_212 = arith.constant 1 : i32
    %dma_start3A_213 = arith.constant 1 : i32
    %dma_start3A_214 = tpu.memref_slice %arg9[%dma_start3A_213] : memref<8x!tpu.dma_semaphore, #tpu.memory_space<semaphore_mem>> -> memref<1x!tpu.dma_semaphore, #tpu.memory_space<semaphore_mem>>
    %dma_start3A_215 = tpu.memref_squeeze %dma_start3A_214 : memref<1x!tpu.dma_semaphore, #tpu.memory_space<semaphore_mem>> -> memref<!tpu.dma_semaphore, #tpu.memory_space<semaphore_mem>>
    %dma_start3A_216 = arith.constant 512 : i32
    %dma_start3A_217 = arith.constant 0 : i32
    %dma_start3A_218 = tpu.memref_slice %arg5[%dma_start3A_216, %dma_start3A_217] : memref<8192x1024xf32, #tpu.memory_space<any>> -> memref<512x1024xf32, #tpu.memory_space<any>>
    %dma_start3A_219 = arith.constant 0 : i32
    %dma_start3A_220 = arith.constant 0 : i32
    %dma_start3A_221 = tpu.memref_slice %arg7[%dma_start3A_212, %dma_start3A_219, %dma_start3A_220] : memref<8x512x1024xf32, #tpu.memory_space<vmem>> -> memref<1x512x1024xf32, #tpu.memory_space<vmem>>
    %dma_start3A_222 = tpu.memref_squeeze %dma_start3A_221 : memref<1x512x1024xf32, #tpu.memory_space<vmem>> -> memref<512x1024xf32, #tpu.memory_space<vmem>>
    tpu.enqueue_dma source(%dma_start3A_222 : memref<512x1024xf32, #tpu.memory_space<vmem>>) target(%dma_start3A_218 : memref<512x1024xf32, #tpu.memory_space<any>>) target_semaphore(%dma_start3A_215 : memref<!tpu.dma_semaphore, #tpu.memory_space<semaphore_mem>>)
    %dma_start3A_223 = arith.constant 1 : i32
    %dma_start3A_224 = arith.constant 1 : i32
    %dma_start3A_225 = tpu.memref_slice %arg8[%dma_start3A_224] : memref<8x!tpu.dma_semaphore, #tpu.memory_space<semaphore_mem>> -> memref<1x!tpu.dma_semaphore, #tpu.memory_space<semaphore_mem>>
    %dma_start3A_226 = tpu.memref_squeeze %dma_start3A_225 : memref<1x!tpu.dma_semaphore, #tpu.memory_space<semaphore_mem>> -> memref<!tpu.dma_semaphore, #tpu.memory_space<semaphore_mem>>
    %dma_start3A_227 = arith.constant 0 : i32
    %dma_start3A_228 = arith.constant 0 : i32
    %dma_start3A_229 = tpu.memref_slice %arg6[%dma_start3A_223, %dma_start3A_227, %dma_start3A_228] : memref<8x512x128xf32, #tpu.memory_space<vmem>> -> memref<1x512x128xf32, #tpu.memory_space<vmem>>
    %dma_start3A_230 = tpu.memref_squeeze %dma_start3A_229 : memref<1x512x128xf32, #tpu.memory_space<vmem>> -> memref<512x128xf32, #tpu.memory_space<vmem>>
    %dma_start3A_231 = arith.constant 4608 : i32
    %dma_start3A_232 = arith.constant 0 : i32
    %dma_start3A_233 = tpu.memref_slice %arg0[%dma_start3A_231, %dma_start3A_232] : memref<8192x128xf32, #tpu.memory_space<any>> -> memref<512x128xf32, #tpu.memory_space<any>>
    tpu.enqueue_dma source(%dma_start3A_233 : memref<512x128xf32, #tpu.memory_space<any>>) target(%dma_start3A_230 : memref<512x128xf32, #tpu.memory_space<vmem>>) target_semaphore(%dma_start3A_226 : memref<!tpu.dma_semaphore, #tpu.memory_space<semaphore_mem>>)
    %dma_wait3A_234 = arith.constant 2 : i32
    %dma_wait3A_235 = arith.constant 2 : i32
    %dma_wait3A_236 = tpu.memref_slice %arg8[%dma_wait3A_235] : memref<8x!tpu.dma_semaphore, #tpu.memory_space<semaphore_mem>> -> memref<1x!tpu.dma_semaphore, #tpu.memory_space<semaphore_mem>>
    %dma_wait3A_237 = tpu.memref_squeeze %dma_wait3A_236 : memref<1x!tpu.dma_semaphore, #tpu.memory_space<semaphore_mem>> -> memref<!tpu.dma_semaphore, #tpu.memory_space<semaphore_mem>>
    %dma_wait3A_238 = arith.constant 0 : i32
    %dma_wait3A_239 = arith.constant 0 : i32
    %dma_wait3A_240 = tpu.memref_slice %arg6[%dma_wait3A_234, %dma_wait3A_238, %dma_wait3A_239] : memref<8x512x128xf32, #tpu.memory_space<vmem>> -> memref<1x512x128xf32, #tpu.memory_space<vmem>>
    %dma_wait3A_241 = tpu.memref_squeeze %dma_wait3A_240 : memref<1x512x128xf32, #tpu.memory_space<vmem>> -> memref<512x128xf32, #tpu.memory_space<vmem>>
    %dma_wait3A_242 = arith.constant 1024 : i32
    %dma_wait3A_243 = arith.constant 0 : i32
    %dma_wait3A_244 = tpu.memref_slice %arg0[%dma_wait3A_242, %dma_wait3A_243] : memref<8192x128xf32, #tpu.memory_space<any>> -> memref<512x128xf32, #tpu.memory_space<any>>
    tpu.wait_dma2 semaphore(%dma_wait3A_237 : memref<!tpu.dma_semaphore, #tpu.memory_space<semaphore_mem>>) src(%dma_wait3A_244 : memref<512x128xf32, #tpu.memory_space<any>>) dst(%dma_wait3A_241 : memref<512x128xf32, #tpu.memory_space<vmem>>)
    %get3A_245 = arith.constant 2 : index
    %get3A_246 = arith.constant 0 : index
    %get3A_247 = arith.constant 0 : index
    %get3A_248 = vector.load %arg6[%get3A_245, %get3A_246, %get3A_247] : memref<8x512x128xf32, #tpu.memory_space<vmem>>, vector<1x512x128xf32>
    %get3A_249 = vector.shape_cast %get3A_248 : vector<1x512x128xf32> to vector<512x128xf32>
    %reduce_sum3A_250 = arith.constant dense<0.000000e+00> : vector<512xf32>
    %reduce_sum3A_251 = vector.multi_reduction <add>, %get3A_249, %reduce_sum3A_250 [1] : vector<512x128xf32> to vector<512xf32>
    %broadcast_in_dim3A_252 = vector.shape_cast %reduce_sum3A_251 : vector<512xf32> to vector<512x1xf32>
    %div3A_253 = arith.constant 1.280000e+02 : f32
    %div3A_254 = vector.broadcast %div3A_253 : f32 to vector<512x1xf32>
    %div3A_255 = arith.divf %broadcast_in_dim3A_252, %div3A_254 : vector<512x1xf32>
    %sub3A_256 = vector.broadcast %div3A_255 : vector<512x1xf32> to vector<512x128xf32>
    %sub3A_257 = arith.subf %get3A_249, %sub3A_256 : vector<512x128xf32>
    %mul3A_258 = arith.mulf %sub3A_257, %sub3A_257 : vector<512x128xf32>
    %reduce_sum3A_259 = arith.constant dense<0.000000e+00> : vector<512xf32>
    %reduce_sum3A_260 = vector.multi_reduction <add>, %mul3A_258, %reduce_sum3A_259 [1] : vector<512x128xf32> to vector<512xf32>
    %broadcast_in_dim3A_261 = vector.shape_cast %reduce_sum3A_260 : vector<512xf32> to vector<512x1xf32>
    %div3A_262 = arith.constant 1.280000e+02 : f32
    %div3A_263 = vector.broadcast %div3A_262 : f32 to vector<512x1xf32>
    %div3A_264 = arith.divf %broadcast_in_dim3A_261, %div3A_263 : vector<512x1xf32>
    %add3A_265 = arith.constant 9.99999996E-13 : f32
    %add3A_266 = vector.broadcast %add3A_265 : f32 to vector<512x1xf32>
    %add3A_267 = arith.addf %div3A_264, %add3A_266 : vector<512x1xf32>
    %rsqrt3A_268 = math.rsqrt %add3A_267 : vector<512x1xf32>
    %mul3A_269 = vector.broadcast %rsqrt3A_268 : vector<512x1xf32> to vector<512x128xf32>
    %mul3A_270 = arith.mulf %sub3A_257, %mul3A_269 : vector<512x128xf32>
    %mul3A_271 = vector.broadcast %broadcast_in_dim3A : vector<1x128xf32> to vector<512x128xf32>
    %mul3A_272 = arith.mulf %mul3A_270, %mul3A_271 : vector<512x128xf32>
    %add3A_273 = vector.broadcast %broadcast_in_dim3A_90 : vector<1x128xf32> to vector<512x128xf32>
    %add3A_274 = arith.addf %mul3A_272, %add3A_273 : vector<512x128xf32>
    %dot_general3A_275 = arith.constant dense<0.000000e+00> : vector<512x1024xf32>
    %dot_general3A_276 = tpu.matmul %add3A_274, %get3A_93, %dot_general3A_275 {dimension_numbers = #tpu.dot_dimension_numbers<[1], [0], [0], [1], [0, 0, 1, 1], [], []>, transpose_lhs_hint = false} : vector<512x128xf32>, vector<128x1024xf32>, vector<512x1024xf32> -> vector<512x1024xf32>
    %add3A_277 = vector.broadcast %broadcast_in_dim3A_96 : vector<1x1024xf32> to vector<512x1024xf32>
    %add3A_278 = arith.addf %dot_general3A_276, %add3A_277 : vector<512x1024xf32>
    %swap3A_279 = arith.constant 2 : index
    %swap3A_280 = arith.constant 0 : index
    %swap3A_281 = arith.constant 0 : index
    %swap3A_282 = vector.load %arg7[%swap3A_279, %swap3A_280, %swap3A_281] : memref<8x512x1024xf32, #tpu.memory_space<vmem>>, vector<1x512x1024xf32>
    %swap3A_283 = vector.shape_cast %swap3A_282 : vector<1x512x1024xf32> to vector<512x1024xf32>
    %swap3A_284 = vector.shape_cast %add3A_278 : vector<512x1024xf32> to vector<1x512x1024xf32>
    tpu.vector_store %arg7[%swap3A_279, %swap3A_280, %swap3A_281], %swap3A_284 {strides = array<i32>} : memref<8x512x1024xf32, #tpu.memory_space<vmem>>, vector<1x512x1024xf32>,
    %dma_start3A_285 = arith.constant 2 : i32
    %dma_start3A_286 = arith.constant 2 : i32
    %dma_start3A_287 = tpu.memref_slice %arg9[%dma_start3A_286] : memref<8x!tpu.dma_semaphore, #tpu.memory_space<semaphore_mem>> -> memref<1x!tpu.dma_semaphore, #tpu.memory_space<semaphore_mem>>
    %dma_start3A_288 = tpu.memref_squeeze %dma_start3A_287 : memref<1x!tpu.dma_semaphore, #tpu.memory_space<semaphore_mem>> -> memref<!tpu.dma_semaphore, #tpu.memory_space<semaphore_mem>>
    %dma_start3A_289 = arith.constant 1024 : i32
    %dma_start3A_290 = arith.constant 0 : i32
    %dma_start3A_291 = tpu.memref_slice %arg5[%dma_start3A_289, %dma_start3A_290] : memref<8192x1024xf32, #tpu.memory_space<any>> -> memref<512x1024xf32, #tpu.memory_space<any>>
    %dma_start3A_292 = arith.constant 0 : i32
    %dma_start3A_293 = arith.constant 0 : i32
    %dma_start3A_294 = tpu.memref_slice %arg7[%dma_start3A_285, %dma_start3A_292, %dma_start3A_293] : memref<8x512x1024xf32, #tpu.memory_space<vmem>> -> memref<1x512x1024xf32, #tpu.memory_space<vmem>>
    %dma_start3A_295 = tpu.memref_squeeze %dma_start3A_294 : memref<1x512x1024xf32, #tpu.memory_space<vmem>> -> memref<512x1024xf32, #tpu.memory_space<vmem>>
    tpu.enqueue_dma source(%dma_start3A_295 : memref<512x1024xf32, #tpu.memory_space<vmem>>) target(%dma_start3A_291 : memref<512x1024xf32, #tpu.memory_space<any>>) target_semaphore(%dma_start3A_288 : memref<!tpu.dma_semaphore, #tpu.memory_space<semaphore_mem>>)
    %dma_start3A_296 = arith.constant 2 : i32
    %dma_start3A_297 = arith.constant 2 : i32
    %dma_start3A_298 = tpu.memref_slice %arg8[%dma_start3A_297] : memref<8x!tpu.dma_semaphore, #tpu.memory_space<semaphore_mem>> -> memref<1x!tpu.dma_semaphore, #tpu.memory_space<semaphore_mem>>
    %dma_start3A_299 = tpu.memref_squeeze %dma_start3A_298 : memref<1x!tpu.dma_semaphore, #tpu.memory_space<semaphore_mem>> -> memref<!tpu.dma_semaphore, #tpu.memory_space<semaphore_mem>>
    %dma_start3A_300 = arith.constant 0 : i32
    %dma_start3A_301 = arith.constant 0 : i32
    %dma_start3A_302 = tpu.memref_slice %arg6[%dma_start3A_296, %dma_start3A_300, %dma_start3A_301] : memref<8x512x128xf32, #tpu.memory_space<vmem>> -> memref<1x512x128xf32, #tpu.memory_space<vmem>>
    %dma_start3A_303 = tpu.memref_squeeze %dma_start3A_302 : memref<1x512x128xf32, #tpu.memory_space<vmem>> -> memref<512x128xf32, #tpu.memory_space<vmem>>
    %dma_start3A_304 = arith.constant 5120 : i32
    %dma_start3A_305 = arith.constant 0 : i32
    %dma_start3A_306 = tpu.memref_slice %arg0[%dma_start3A_304, %dma_start3A_305] : memref<8192x128xf32, #tpu.memory_space<any>> -> memref<512x128xf32, #tpu.memory_space<any>>
    tpu.enqueue_dma source(%dma_start3A_306 : memref<512x128xf32, #tpu.memory_space<any>>) target(%dma_start3A_303 : memref<512x128xf32, #tpu.memory_space<vmem>>) target_semaphore(%dma_start3A_299 : memref<!tpu.dma_semaphore, #tpu.memory_space<semaphore_mem>>)
    %dma_wait3A_307 = arith.constant 3 : i32
    %dma_wait3A_308 = arith.constant 3 : i32
    %dma_wait3A_309 = tpu.memref_slice %arg8[%dma_wait3A_308] : memref<8x!tpu.dma_semaphore, #tpu.memory_space<semaphore_mem>> -> memref<1x!tpu.dma_semaphore, #tpu.memory_space<semaphore_mem>>
    %dma_wait3A_310 = tpu.memref_squeeze %dma_wait3A_309 : memref<1x!tpu.dma_semaphore, #tpu.memory_space<semaphore_mem>> -> memref<!tpu.dma_semaphore, #tpu.memory_space<semaphore_mem>>
    %dma_wait3A_311 = arith.constant 0 : i32
    %dma_wait3A_312 = arith.constant 0 : i32
    %dma_wait3A_313 = tpu.memref_slice %arg6[%dma_wait3A_307, %dma_wait3A_311, %dma_wait3A_312] : memref<8x512x128xf32, #tpu.memory_space<vmem>> -> memref<1x512x128xf32, #tpu.memory_space<vmem>>
    %dma_wait3A_314 = tpu.memref_squeeze %dma_wait3A_313 : memref<1x512x128xf32, #tpu.memory_space<vmem>> -> memref<512x128xf32, #tpu.memory_space<vmem>>
    %dma_wait3A_315 = arith.constant 1536 : i32
    %dma_wait3A_316 = arith.constant 0 : i32
    %dma_wait3A_317 = tpu.memref_slice %arg0[%dma_wait3A_315, %dma_wait3A_316] : memref<8192x128xf32, #tpu.memory_space<any>> -> memref<512x128xf32, #tpu.memory_space<any>>
    tpu.wait_dma2 semaphore(%dma_wait3A_310 : memref<!tpu.dma_semaphore, #tpu.memory_space<semaphore_mem>>) src(%dma_wait3A_317 : memref<512x128xf32, #tpu.memory_space<any>>) dst(%dma_wait3A_314 : memref<512x128xf32, #tpu.memory_space<vmem>>)
    %get3A_318 = arith.constant 3 : index
    %get3A_319 = arith.constant 0 : index
    %get3A_320 = arith.constant 0 : index
    %get3A_321 = vector.load %arg6[%get3A_318, %get3A_319, %get3A_320] : memref<8x512x128xf32, #tpu.memory_space<vmem>>, vector<1x512x128xf32>
    %get3A_322 = vector.shape_cast %get3A_321 : vector<1x512x128xf32> to vector<512x128xf32>
    %reduce_sum3A_323 = arith.constant dense<0.000000e+00> : vector<512xf32>
    %reduce_sum3A_324 = vector.multi_reduction <add>, %get3A_322, %reduce_sum3A_323 [1] : vector<512x128xf32> to vector<512xf32>
    %broadcast_in_dim3A_325 = vector.shape_cast %reduce_sum3A_324 : vector<512xf32> to vector<512x1xf32>
    %div3A_326 = arith.constant 1.280000e+02 : f32
    %div3A_327 = vector.broadcast %div3A_326 : f32 to vector<512x1xf32>
    %div3A_328 = arith.divf %broadcast_in_dim3A_325, %div3A_327 : vector<512x1xf32>
    %sub3A_329 = vector.broadcast %div3A_328 : vector<512x1xf32> to vector<512x128xf32>
    %sub3A_330 = arith.subf %get3A_322, %sub3A_329 : vector<512x128xf32>
    %mul3A_331 = arith.mulf %sub3A_330, %sub3A_330 : vector<512x128xf32>
    %reduce_sum3A_332 = arith.constant dense<0.000000e+00> : vector<512xf32>
    %reduce_sum3A_333 = vector.multi_reduction <add>, %mul3A_331, %reduce_sum3A_332 [1] : vector<512x128xf32> to vector<512xf32>
    %broadcast_in_dim3A_334 = vector.shape_cast %reduce_sum3A_333 : vector<512xf32> to vector<512x1xf32>
    %div3A_335 = arith.constant 1.280000e+02 : f32
    %div3A_336 = vector.broadcast %div3A_335 : f32 to vector<512x1xf32>
    %div3A_337 = arith.divf %broadcast_in_dim3A_334, %div3A_336 : vector<512x1xf32>
    %add3A_338 = arith.constant 9.99999996E-13 : f32
    %add3A_339 = vector.broadcast %add3A_338 : f32 to vector<512x1xf32>
    %add3A_340 = arith.addf %div3A_337, %add3A_339 : vector<512x1xf32>
    %rsqrt3A_341 = math.rsqrt %add3A_340 : vector<512x1xf32>
    %mul3A_342 = vector.broadcast %rsqrt3A_341 : vector<512x1xf32> to vector<512x128xf32>
    %mul3A_343 = arith.mulf %sub3A_330, %mul3A_342 : vector<512x128xf32>
    %mul3A_344 = vector.broadcast %broadcast_in_dim3A : vector<1x128xf32> to vector<512x128xf32>
    %mul3A_345 = arith.mulf %mul3A_343, %mul3A_344 : vector<512x128xf32>
    %add3A_346 = vector.broadcast %broadcast_in_dim3A_90 : vector<1x128xf32> to vector<512x128xf32>
    %add3A_347 = arith.addf %mul3A_345, %add3A_346 : vector<512x128xf32>
    %dot_general3A_348 = arith.constant dense<0.000000e+00> : vector<512x1024xf32>
    %dot_general3A_349 = tpu.matmul %add3A_347, %get3A_93, %dot_general3A_348 {dimension_numbers = #tpu.dot_dimension_numbers<[1], [0], [0], [1], [0, 0, 1, 1], [], []>, transpose_lhs_hint = false} : vector<512x128xf32>, vector<128x1024xf32>, vector<512x1024xf32> -> vector<512x1024xf32>
    %add3A_350 = vector.broadcast %broadcast_in_dim3A_96 : vector<1x1024xf32> to vector<512x1024xf32>
    %add3A_351 = arith.addf %dot_general3A_349, %add3A_350 : vector<512x1024xf32>
    %swap3A_352 = arith.constant 3 : index
    %swap3A_353 = arith.constant 0 : index
    %swap3A_354 = arith.constant 0 : index
    %swap3A_355 = vector.load %arg7[%swap3A_352, %swap3A_353, %swap3A_354] : memref<8x512x1024xf32, #tpu.memory_space<vmem>>, vector<1x512x1024xf32>
    %swap3A_356 = vector.shape_cast %swap3A_355 : vector<1x512x1024xf32> to vector<512x1024xf32>
    %swap3A_357 = vector.shape_cast %add3A_351 : vector<512x1024xf32> to vector<1x512x1024xf32>
    tpu.vector_store %arg7[%swap3A_352, %swap3A_353, %swap3A_354], %swap3A_357 {strides = array<i32>} : memref<8x512x1024xf32, #tpu.memory_space<vmem>>, vector<1x512x1024xf32>,
    %dma_start3A_358 = arith.constant 3 : i32
    %dma_start3A_359 = arith.constant 3 : i32
    %dma_start3A_360 = tpu.memref_slice %arg9[%dma_start3A_359] : memref<8x!tpu.dma_semaphore, #tpu.memory_space<semaphore_mem>> -> memref<1x!tpu.dma_semaphore, #tpu.memory_space<semaphore_mem>>
    %dma_start3A_361 = tpu.memref_squeeze %dma_start3A_360 : memref<1x!tpu.dma_semaphore, #tpu.memory_space<semaphore_mem>> -> memref<!tpu.dma_semaphore, #tpu.memory_space<semaphore_mem>>
    %dma_start3A_362 = arith.constant 1536 : i32
    %dma_start3A_363 = arith.constant 0 : i32
    %dma_start3A_364 = tpu.memref_slice %arg5[%dma_start3A_362, %dma_start3A_363] : memref<8192x1024xf32, #tpu.memory_space<any>> -> memref<512x1024xf32, #tpu.memory_space<any>>
    %dma_start3A_365 = arith.constant 0 : i32
    %dma_start3A_366 = arith.constant 0 : i32
    %dma_start3A_367 = tpu.memref_slice %arg7[%dma_start3A_358, %dma_start3A_365, %dma_start3A_366] : memref<8x512x1024xf32, #tpu.memory_space<vmem>> -> memref<1x512x1024xf32, #tpu.memory_space<vmem>>
    %dma_start3A_368 = tpu.memref_squeeze %dma_start3A_367 : memref<1x512x1024xf32, #tpu.memory_space<vmem>> -> memref<512x1024xf32, #tpu.memory_space<vmem>>
    tpu.enqueue_dma source(%dma_start3A_368 : memref<512x1024xf32, #tpu.memory_space<vmem>>) target(%dma_start3A_364 : memref<512x1024xf32, #tpu.memory_space<any>>) target_semaphore(%dma_start3A_361 : memref<!tpu.dma_semaphore, #tpu.memory_space<semaphore_mem>>)
    %dma_start3A_369 = arith.constant 3 : i32
    %dma_start3A_370 = arith.constant 3 : i32
    %dma_start3A_371 = tpu.memref_slice %arg8[%dma_start3A_370] : memref<8x!tpu.dma_semaphore, #tpu.memory_space<semaphore_mem>> -> memref<1x!tpu.dma_semaphore, #tpu.memory_space<semaphore_mem>>
    %dma_start3A_372 = tpu.memref_squeeze %dma_start3A_371 : memref<1x!tpu.dma_semaphore, #tpu.memory_space<semaphore_mem>> -> memref<!tpu.dma_semaphore, #tpu.memory_space<semaphore_mem>>
    %dma_start3A_373 = arith.constant 0 : i32
    %dma_start3A_374 = arith.constant 0 : i32
    %dma_start3A_375 = tpu.memref_slice %arg6[%dma_start3A_369, %dma_start3A_373, %dma_start3A_374] : memref<8x512x128xf32, #tpu.memory_space<vmem>> -> memref<1x512x128xf32, #tpu.memory_space<vmem>>
    %dma_start3A_376 = tpu.memref_squeeze %dma_start3A_375 : memref<1x512x128xf32, #tpu.memory_space<vmem>> -> memref<512x128xf32, #tpu.memory_space<vmem>>
    %dma_start3A_377 = arith.constant 5632 : i32
    %dma_start3A_378 = arith.constant 0 : i32
    %dma_start3A_379 = tpu.memref_slice %arg0[%dma_start3A_377, %dma_start3A_378] : memref<8192x128xf32, #tpu.memory_space<any>> -> memref<512x128xf32, #tpu.memory_space<any>>
    tpu.enqueue_dma source(%dma_start3A_379 : memref<512x128xf32, #tpu.memory_space<any>>) target(%dma_start3A_376 : memref<512x128xf32, #tpu.memory_space<vmem>>) target_semaphore(%dma_start3A_372 : memref<!tpu.dma_semaphore, #tpu.memory_space<semaphore_mem>>)
    %dma_wait3A_380 = arith.constant 4 : i32
    %dma_wait3A_381 = arith.constant 4 : i32
    %dma_wait3A_382 = tpu.memref_slice %arg8[%dma_wait3A_381] : memref<8x!tpu.dma_semaphore, #tpu.memory_space<semaphore_mem>> -> memref<1x!tpu.dma_semaphore, #tpu.memory_space<semaphore_mem>>
    %dma_wait3A_383 = tpu.memref_squeeze %dma_wait3A_382 : memref<1x!tpu.dma_semaphore, #tpu.memory_space<semaphore_mem>> -> memref<!tpu.dma_semaphore, #tpu.memory_space<semaphore_mem>>
    %dma_wait3A_384 = arith.constant 0 : i32
    %dma_wait3A_385 = arith.constant 0 : i32
    %dma_wait3A_386 = tpu.memref_slice %arg6[%dma_wait3A_380, %dma_wait3A_384, %dma_wait3A_385] : memref<8x512x128xf32, #tpu.memory_space<vmem>> -> memref<1x512x128xf32, #tpu.memory_space<vmem>>
    %dma_wait3A_387 = tpu.memref_squeeze %dma_wait3A_386 : memref<1x512x128xf32, #tpu.memory_space<vmem>> -> memref<512x128xf32, #tpu.memory_space<vmem>>
    %dma_wait3A_388 = arith.constant 2048 : i32
    %dma_wait3A_389 = arith.constant 0 : i32
    %dma_wait3A_390 = tpu.memref_slice %arg0[%dma_wait3A_388, %dma_wait3A_389] : memref<8192x128xf32, #tpu.memory_space<any>> -> memref<512x128xf32, #tpu.memory_space<any>>
    tpu.wait_dma2 semaphore(%dma_wait3A_383 : memref<!tpu.dma_semaphore, #tpu.memory_space<semaphore_mem>>) src(%dma_wait3A_390 : memref<512x128xf32, #tpu.memory_space<any>>) dst(%dma_wait3A_387 : memref<512x128xf32, #tpu.memory_space<vmem>>)
    %get3A_391 = arith.constant 4 : index
    %get3A_392 = arith.constant 0 : index
    %get3A_393 = arith.constant 0 : index
    %get3A_394 = vector.load %arg6[%get3A_391, %get3A_392, %get3A_393] : memref<8x512x128xf32, #tpu.memory_space<vmem>>, vector<1x512x128xf32>
    %get3A_395 = vector.shape_cast %get3A_394 : vector<1x512x128xf32> to vector<512x128xf32>
    %reduce_sum3A_396 = arith.constant dense<0.000000e+00> : vector<512xf32>
    %reduce_sum3A_397 = vector.multi_reduction <add>, %get3A_395, %reduce_sum3A_396 [1] : vector<512x128xf32> to vector<512xf32>
    %broadcast_in_dim3A_398 = vector.shape_cast %reduce_sum3A_397 : vector<512xf32> to vector<512x1xf32>
    %div3A_399 = arith.constant 1.280000e+02 : f32
    %div3A_400 = vector.broadcast %div3A_399 : f32 to vector<512x1xf32>
    %div3A_401 = arith.divf %broadcast_in_dim3A_398, %div3A_400 : vector<512x1xf32>
    %sub3A_402 = vector.broadcast %div3A_401 : vector<512x1xf32> to vector<512x128xf32>
    %sub3A_403 = arith.subf %get3A_395, %sub3A_402 : vector<512x128xf32>
    %mul3A_404 = arith.mulf %sub3A_403, %sub3A_403 : vector<512x128xf32>
    %reduce_sum3A_405 = arith.constant dense<0.000000e+00> : vector<512xf32>
    %reduce_sum3A_406 = vector.multi_reduction <add>, %mul3A_404, %reduce_sum3A_405 [1] : vector<512x128xf32> to vector<512xf32>
    %broadcast_in_dim3A_407 = vector.shape_cast %reduce_sum3A_406 : vector<512xf32> to vector<512x1xf32>
    %div3A_408 = arith.constant 1.280000e+02 : f32
    %div3A_409 = vector.broadcast %div3A_408 : f32 to vector<512x1xf32>
    %div3A_410 = arith.divf %broadcast_in_dim3A_407, %div3A_409 : vector<512x1xf32>
    %add3A_411 = arith.constant 9.99999996E-13 : f32
    %add3A_412 = vector.broadcast %add3A_411 : f32 to vector<512x1xf32>
    %add3A_413 = arith.addf %div3A_410, %add3A_412 : vector<512x1xf32>
    %rsqrt3A_414 = math.rsqrt %add3A_413 : vector<512x1xf32>
    %mul3A_415 = vector.broadcast %rsqrt3A_414 : vector<512x1xf32> to vector<512x128xf32>
    %mul3A_416 = arith.mulf %sub3A_403, %mul3A_415 : vector<512x128xf32>
    %mul3A_417 = vector.broadcast %broadcast_in_dim3A : vector<1x128xf32> to vector<512x128xf32>
    %mul3A_418 = arith.mulf %mul3A_416, %mul3A_417 : vector<512x128xf32>
    %add3A_419 = vector.broadcast %broadcast_in_dim3A_90 : vector<1x128xf32> to vector<512x128xf32>
    %add3A_420 = arith.addf %mul3A_418, %add3A_419 : vector<512x128xf32>
    %dot_general3A_421 = arith.constant dense<0.000000e+00> : vector<512x1024xf32>
    %dot_general3A_422 = tpu.matmul %add3A_420, %get3A_93, %dot_general3A_421 {dimension_numbers = #tpu.dot_dimension_numbers<[1], [0], [0], [1], [0, 0, 1, 1], [], []>, transpose_lhs_hint = false} : vector<512x128xf32>, vector<128x1024xf32>, vector<512x1024xf32> -> vector<512x1024xf32>
    %add3A_423 = vector.broadcast %broadcast_in_dim3A_96 : vector<1x1024xf32> to vector<512x1024xf32>
    %add3A_424 = arith.addf %dot_general3A_422, %add3A_423 : vector<512x1024xf32>
    %swap3A_425 = arith.constant 4 : index
    %swap3A_426 = arith.constant 0 : index
    %swap3A_427 = arith.constant 0 : index
    %swap3A_428 = vector.load %arg7[%swap3A_425, %swap3A_426, %swap3A_427] : memref<8x512x1024xf32, #tpu.memory_space<vmem>>, vector<1x512x1024xf32>
    %swap3A_429 = vector.shape_cast %swap3A_428 : vector<1x512x1024xf32> to vector<512x1024xf32>
    %swap3A_430 = vector.shape_cast %add3A_424 : vector<512x1024xf32> to vector<1x512x1024xf32>
    tpu.vector_store %arg7[%swap3A_425, %swap3A_426, %swap3A_427], %swap3A_430 {strides = array<i32>} : memref<8x512x1024xf32, #tpu.memory_space<vmem>>, vector<1x512x1024xf32>,
    %dma_start3A_431 = arith.constant 4 : i32
    %dma_start3A_432 = arith.constant 4 : i32
    %dma_start3A_433 = tpu.memref_slice %arg9[%dma_start3A_432] : memref<8x!tpu.dma_semaphore, #tpu.memory_space<semaphore_mem>> -> memref<1x!tpu.dma_semaphore, #tpu.memory_space<semaphore_mem>>
    %dma_start3A_434 = tpu.memref_squeeze %dma_start3A_433 : memref<1x!tpu.dma_semaphore, #tpu.memory_space<semaphore_mem>> -> memref<!tpu.dma_semaphore, #tpu.memory_space<semaphore_mem>>
    %dma_start3A_435 = arith.constant 2048 : i32
    %dma_start3A_436 = arith.constant 0 : i32
    %dma_start3A_437 = tpu.memref_slice %arg5[%dma_start3A_435, %dma_start3A_436] : memref<8192x1024xf32, #tpu.memory_space<any>> -> memref<512x1024xf32, #tpu.memory_space<any>>
    %dma_start3A_438 = arith.constant 0 : i32
    %dma_start3A_439 = arith.constant 0 : i32
    %dma_start3A_440 = tpu.memref_slice %arg7[%dma_start3A_431, %dma_start3A_438, %dma_start3A_439] : memref<8x512x1024xf32, #tpu.memory_space<vmem>> -> memref<1x512x1024xf32, #tpu.memory_space<vmem>>
    %dma_start3A_441 = tpu.memref_squeeze %dma_start3A_440 : memref<1x512x1024xf32, #tpu.memory_space<vmem>> -> memref<512x1024xf32, #tpu.memory_space<vmem>>
    tpu.enqueue_dma source(%dma_start3A_441 : memref<512x1024xf32, #tpu.memory_space<vmem>>) target(%dma_start3A_437 : memref<512x1024xf32, #tpu.memory_space<any>>) target_semaphore(%dma_start3A_434 : memref<!tpu.dma_semaphore, #tpu.memory_space<semaphore_mem>>)
    %dma_start3A_442 = arith.constant 4 : i32
    %dma_start3A_443 = arith.constant 4 : i32
    %dma_start3A_444 = tpu.memref_slice %arg8[%dma_start3A_443] : memref<8x!tpu.dma_semaphore, #tpu.memory_space<semaphore_mem>> -> memref<1x!tpu.dma_semaphore, #tpu.memory_space<semaphore_mem>>
    %dma_start3A_445 = tpu.memref_squeeze %dma_start3A_444 : memref<1x!tpu.dma_semaphore, #tpu.memory_space<semaphore_mem>> -> memref<!tpu.dma_semaphore, #tpu.memory_space<semaphore_mem>>
    %dma_start3A_446 = arith.constant 0 : i32
    %dma_start3A_447 = arith.constant 0 : i32
    %dma_start3A_448 = tpu.memref_slice %arg6[%dma_start3A_442, %dma_start3A_446, %dma_start3A_447] : memref<8x512x128xf32, #tpu.memory_space<vmem>> -> memref<1x512x128xf32, #tpu.memory_space<vmem>>
    %dma_start3A_449 = tpu.memref_squeeze %dma_start3A_448 : memref<1x512x128xf32, #tpu.memory_space<vmem>> -> memref<512x128xf32, #tpu.memory_space<vmem>>
    %dma_start3A_450 = arith.constant 6144 : i32
    %dma_start3A_451 = arith.constant 0 : i32
    %dma_start3A_452 = tpu.memref_slice %arg0[%dma_start3A_450, %dma_start3A_451] : memref<8192x128xf32, #tpu.memory_space<any>> -> memref<512x128xf32, #tpu.memory_space<any>>
    tpu.enqueue_dma source(%dma_start3A_452 : memref<512x128xf32, #tpu.memory_space<any>>) target(%dma_start3A_449 : memref<512x128xf32, #tpu.memory_space<vmem>>) target_semaphore(%dma_start3A_445 : memref<!tpu.dma_semaphore, #tpu.memory_space<semaphore_mem>>)
    %dma_wait3A_453 = arith.constant 5 : i32
    %dma_wait3A_454 = arith.constant 5 : i32
    %dma_wait3A_455 = tpu.memref_slice %arg8[%dma_wait3A_454] : memref<8x!tpu.dma_semaphore, #tpu.memory_space<semaphore_mem>> -> memref<1x!tpu.dma_semaphore, #tpu.memory_space<semaphore_mem>>
    %dma_wait3A_456 = tpu.memref_squeeze %dma_wait3A_455 : memref<1x!tpu.dma_semaphore, #tpu.memory_space<semaphore_mem>> -> memref<!tpu.dma_semaphore, #tpu.memory_space<semaphore_mem>>
    %dma_wait3A_457 = arith.constant 0 : i32
    %dma_wait3A_458 = arith.constant 0 : i32
    %dma_wait3A_459 = tpu.memref_slice %arg6[%dma_wait3A_453, %dma_wait3A_457, %dma_wait3A_458] : memref<8x512x128xf32, #tpu.memory_space<vmem>> -> memref<1x512x128xf32, #tpu.memory_space<vmem>>
    %dma_wait3A_460 = tpu.memref_squeeze %dma_wait3A_459 : memref<1x512x128xf32, #tpu.memory_space<vmem>> -> memref<512x128xf32, #tpu.memory_space<vmem>>
    %dma_wait3A_461 = arith.constant 2560 : i32
    %dma_wait3A_462 = arith.constant 0 : i32
    %dma_wait3A_463 = tpu.memref_slice %arg0[%dma_wait3A_461, %dma_wait3A_462] : memref<8192x128xf32, #tpu.memory_space<any>> -> memref<512x128xf32, #tpu.memory_space<any>>
    tpu.wait_dma2 semaphore(%dma_wait3A_456 : memref<!tpu.dma_semaphore, #tpu.memory_space<semaphore_mem>>) src(%dma_wait3A_463 : memref<512x128xf32, #tpu.memory_space<any>>) dst(%dma_wait3A_460 : memref<512x128xf32, #tpu.memory_space<vmem>>)
    %get3A_464 = arith.constant 5 : index
    %get3A_465 = arith.constant 0 : index
    %get3A_466 = arith.constant 0 : index
    %get3A_467 = vector.load %arg6[%get3A_464, %get3A_465, %get3A_466] : memref<8x512x128xf32, #tpu.memory_space<vmem>>, vector<1x512x128xf32>
    %get3A_468 = vector.shape_cast %get3A_467 : vector<1x512x128xf32> to vector<512x128xf32>
    %reduce_sum3A_469 = arith.constant dense<0.000000e+00> : vector<512xf32>
    %reduce_sum3A_470 = vector.multi_reduction <add>, %get3A_468, %reduce_sum3A_469 [1] : vector<512x128xf32> to vector<512xf32>
    %broadcast_in_dim3A_471 = vector.shape_cast %reduce_sum3A_470 : vector<512xf32> to vector<512x1xf32>
    %div3A_472 = arith.constant 1.280000e+02 : f32
    %div3A_473 = vector.broadcast %div3A_472 : f32 to vector<512x1xf32>
    %div3A_474 = arith.divf %broadcast_in_dim3A_471, %div3A_473 : vector<512x1xf32>
    %sub3A_475 = vector.broadcast %div3A_474 : vector<512x1xf32> to vector<512x128xf32>
    %sub3A_476 = arith.subf %get3A_468, %sub3A_475 : vector<512x128xf32>
    %mul3A_477 = arith.mulf %sub3A_476, %sub3A_476 : vector<512x128xf32>
    %reduce_sum3A_478 = arith.constant dense<0.000000e+00> : vector<512xf32>
    %reduce_sum3A_479 = vector.multi_reduction <add>, %mul3A_477, %reduce_sum3A_478 [1] : vector<512x128xf32> to vector<512xf32>
    %broadcast_in_dim3A_480 = vector.shape_cast %reduce_sum3A_479 : vector<512xf32> to vector<512x1xf32>
    %div3A_481 = arith.constant 1.280000e+02 : f32
    %div3A_482 = vector.broadcast %div3A_481 : f32 to vector<512x1xf32>
    %div3A_483 = arith.divf %broadcast_in_dim3A_480, %div3A_482 : vector<512x1xf32>
    %add3A_484 = arith.constant 9.99999996E-13 : f32
    %add3A_485 = vector.broadcast %add3A_484 : f32 to vector<512x1xf32>
    %add3A_486 = arith.addf %div3A_483, %add3A_485 : vector<512x1xf32>
    %rsqrt3A_487 = math.rsqrt %add3A_486 : vector<512x1xf32>
    %mul3A_488 = vector.broadcast %rsqrt3A_487 : vector<512x1xf32> to vector<512x128xf32>
    %mul3A_489 = arith.mulf %sub3A_476, %mul3A_488 : vector<512x128xf32>
    %mul3A_490 = vector.broadcast %broadcast_in_dim3A : vector<1x128xf32> to vector<512x128xf32>
    %mul3A_491 = arith.mulf %mul3A_489, %mul3A_490 : vector<512x128xf32>
    %add3A_492 = vector.broadcast %broadcast_in_dim3A_90 : vector<1x128xf32> to vector<512x128xf32>
    %add3A_493 = arith.addf %mul3A_491, %add3A_492 : vector<512x128xf32>
    %dot_general3A_494 = arith.constant dense<0.000000e+00> : vector<512x1024xf32>
    %dot_general3A_495 = tpu.matmul %add3A_493, %get3A_93, %dot_general3A_494 {dimension_numbers = #tpu.dot_dimension_numbers<[1], [0], [0], [1], [0, 0, 1, 1], [], []>, transpose_lhs_hint = false} : vector<512x128xf32>, vector<128x1024xf32>, vector<512x1024xf32> -> vector<512x1024xf32>
    %add3A_496 = vector.broadcast %broadcast_in_dim3A_96 : vector<1x1024xf32> to vector<512x1024xf32>
    %add3A_497 = arith.addf %dot_general3A_495, %add3A_496 : vector<512x1024xf32>
    %swap3A_498 = arith.constant 5 : index
    %swap3A_499 = arith.constant 0 : index
    %swap3A_500 = arith.constant 0 : index
    %swap3A_501 = vector.load %arg7[%swap3A_498, %swap3A_499, %swap3A_500] : memref<8x512x1024xf32, #tpu.memory_space<vmem>>, vector<1x512x1024xf32>
    %swap3A_502 = vector.shape_cast %swap3A_501 : vector<1x512x1024xf32> to vector<512x1024xf32>
    %swap3A_503 = vector.shape_cast %add3A_497 : vector<512x1024xf32> to vector<1x512x1024xf32>
    tpu.vector_store %arg7[%swap3A_498, %swap3A_499, %swap3A_500], %swap3A_503 {strides = array<i32>} : memref<8x512x1024xf32, #tpu.memory_space<vmem>>, vector<1x512x1024xf32>,
    %dma_start3A_504 = arith.constant 5 : i32
    %dma_start3A_505 = arith.constant 5 : i32
    %dma_start3A_506 = tpu.memref_slice %arg9[%dma_start3A_505] : memref<8x!tpu.dma_semaphore, #tpu.memory_space<semaphore_mem>> -> memref<1x!tpu.dma_semaphore, #tpu.memory_space<semaphore_mem>>
    %dma_start3A_507 = tpu.memref_squeeze %dma_start3A_506 : memref<1x!tpu.dma_semaphore, #tpu.memory_space<semaphore_mem>> -> memref<!tpu.dma_semaphore, #tpu.memory_space<semaphore_mem>>
    %dma_start3A_508 = arith.constant 2560 : i32
    %dma_start3A_509 = arith.constant 0 : i32
    %dma_start3A_510 = tpu.memref_slice %arg5[%dma_start3A_508, %dma_start3A_509] : memref<8192x1024xf32, #tpu.memory_space<any>> -> memref<512x1024xf32, #tpu.memory_space<any>>
    %dma_start3A_511 = arith.constant 0 : i32
    %dma_start3A_512 = arith.constant 0 : i32
    %dma_start3A_513 = tpu.memref_slice %arg7[%dma_start3A_504, %dma_start3A_511, %dma_start3A_512] : memref<8x512x1024xf32, #tpu.memory_space<vmem>> -> memref<1x512x1024xf32, #tpu.memory_space<vmem>>
    %dma_start3A_514 = tpu.memref_squeeze %dma_start3A_513 : memref<1x512x1024xf32, #tpu.memory_space<vmem>> -> memref<512x1024xf32, #tpu.memory_space<vmem>>
    tpu.enqueue_dma source(%dma_start3A_514 : memref<512x1024xf32, #tpu.memory_space<vmem>>) target(%dma_start3A_510 : memref<512x1024xf32, #tpu.memory_space<any>>) target_semaphore(%dma_start3A_507 : memref<!tpu.dma_semaphore, #tpu.memory_space<semaphore_mem>>)
    %dma_start3A_515 = arith.constant 5 : i32
    %dma_start3A_516 = arith.constant 5 : i32
    %dma_start3A_517 = tpu.memref_slice %arg8[%dma_start3A_516] : memref<8x!tpu.dma_semaphore, #tpu.memory_space<semaphore_mem>> -> memref<1x!tpu.dma_semaphore, #tpu.memory_space<semaphore_mem>>
    %dma_start3A_518 = tpu.memref_squeeze %dma_start3A_517 : memref<1x!tpu.dma_semaphore, #tpu.memory_space<semaphore_mem>> -> memref<!tpu.dma_semaphore, #tpu.memory_space<semaphore_mem>>
    %dma_start3A_519 = arith.constant 0 : i32
    %dma_start3A_520 = arith.constant 0 : i32
    %dma_start3A_521 = tpu.memref_slice %arg6[%dma_start3A_515, %dma_start3A_519, %dma_start3A_520] : memref<8x512x128xf32, #tpu.memory_space<vmem>> -> memref<1x512x128xf32, #tpu.memory_space<vmem>>
    %dma_start3A_522 = tpu.memref_squeeze %dma_start3A_521 : memref<1x512x128xf32, #tpu.memory_space<vmem>> -> memref<512x128xf32, #tpu.memory_space<vmem>>
    %dma_start3A_523 = arith.constant 6656 : i32
    %dma_start3A_524 = arith.constant 0 : i32
    %dma_start3A_525 = tpu.memref_slice %arg0[%dma_start3A_523, %dma_start3A_524] : memref<8192x128xf32, #tpu.memory_space<any>> -> memref<512x128xf32, #tpu.memory_space<any>>
    tpu.enqueue_dma source(%dma_start3A_525 : memref<512x128xf32, #tpu.memory_space<any>>) target(%dma_start3A_522 : memref<512x128xf32, #tpu.memory_space<vmem>>) target_semaphore(%dma_start3A_518 : memref<!tpu.dma_semaphore, #tpu.memory_space<semaphore_mem>>)
    %dma_wait3A_526 = arith.constant 6 : i32
    %dma_wait3A_527 = arith.constant 6 : i32
    %dma_wait3A_528 = tpu.memref_slice %arg8[%dma_wait3A_527] : memref<8x!tpu.dma_semaphore, #tpu.memory_space<semaphore_mem>> -> memref<1x!tpu.dma_semaphore, #tpu.memory_space<semaphore_mem>>
    %dma_wait3A_529 = tpu.memref_squeeze %dma_wait3A_528 : memref<1x!tpu.dma_semaphore, #tpu.memory_space<semaphore_mem>> -> memref<!tpu.dma_semaphore, #tpu.memory_space<semaphore_mem>>
    %dma_wait3A_530 = arith.constant 0 : i32
    %dma_wait3A_531 = arith.constant 0 : i32
    %dma_wait3A_532 = tpu.memref_slice %arg6[%dma_wait3A_526, %dma_wait3A_530, %dma_wait3A_531] : memref<8x512x128xf32, #tpu.memory_space<vmem>> -> memref<1x512x128xf32, #tpu.memory_space<vmem>>
    %dma_wait3A_533 = tpu.memref_squeeze %dma_wait3A_532 : memref<1x512x128xf32, #tpu.memory_space<vmem>> -> memref<512x128xf32, #tpu.memory_space<vmem>>
    %dma_wait3A_534 = arith.constant 3072 : i32
    %dma_wait3A_535 = arith.constant 0 : i32
    %dma_wait3A_536 = tpu.memref_slice %arg0[%dma_wait3A_534, %dma_wait3A_535] : memref<8192x128xf32, #tpu.memory_space<any>> -> memref<512x128xf32, #tpu.memory_space<any>>
    tpu.wait_dma2 semaphore(%dma_wait3A_529 : memref<!tpu.dma_semaphore, #tpu.memory_space<semaphore_mem>>) src(%dma_wait3A_536 : memref<512x128xf32, #tpu.memory_space<any>>) dst(%dma_wait3A_533 : memref<512x128xf32, #tpu.memory_space<vmem>>)
    %get3A_537 = arith.constant 6 : index
    %get3A_538 = arith.constant 0 : index
    %get3A_539 = arith.constant 0 : index
    %get3A_540 = vector.load %arg6[%get3A_537, %get3A_538, %get3A_539] : memref<8x512x128xf32, #tpu.memory_space<vmem>>, vector<1x512x128xf32>
    %get3A_541 = vector.shape_cast %get3A_540 : vector<1x512x128xf32> to vector<512x128xf32>
    %reduce_sum3A_542 = arith.constant dense<0.000000e+00> : vector<512xf32>
    %reduce_sum3A_543 = vector.multi_reduction <add>, %get3A_541, %reduce_sum3A_542 [1] : vector<512x128xf32> to vector<512xf32>
    %broadcast_in_dim3A_544 = vector.shape_cast %reduce_sum3A_543 : vector<512xf32> to vector<512x1xf32>
    %div3A_545 = arith.constant 1.280000e+02 : f32
    %div3A_546 = vector.broadcast %div3A_545 : f32 to vector<512x1xf32>
    %div3A_547 = arith.divf %broadcast_in_dim3A_544, %div3A_546 : vector<512x1xf32>
    %sub3A_548 = vector.broadcast %div3A_547 : vector<512x1xf32> to vector<512x128xf32>
    %sub3A_549 = arith.subf %get3A_541, %sub3A_548 : vector<512x128xf32>
    %mul3A_550 = arith.mulf %sub3A_549, %sub3A_549 : vector<512x128xf32>
    %reduce_sum3A_551 = arith.constant dense<0.000000e+00> : vector<512xf32>
    %reduce_sum3A_552 = vector.multi_reduction <add>, %mul3A_550, %reduce_sum3A_551 [1] : vector<512x128xf32> to vector<512xf32>
    %broadcast_in_dim3A_553 = vector.shape_cast %reduce_sum3A_552 : vector<512xf32> to vector<512x1xf32>
    %div3A_554 = arith.constant 1.280000e+02 : f32
    %div3A_555 = vector.broadcast %div3A_554 : f32 to vector<512x1xf32>
    %div3A_556 = arith.divf %broadcast_in_dim3A_553, %div3A_555 : vector<512x1xf32>
    %add3A_557 = arith.constant 9.99999996E-13 : f32
    %add3A_558 = vector.broadcast %add3A_557 : f32 to vector<512x1xf32>
    %add3A_559 = arith.addf %div3A_556, %add3A_558 : vector<512x1xf32>
    %rsqrt3A_560 = math.rsqrt %add3A_559 : vector<512x1xf32>
    %mul3A_561 = vector.broadcast %rsqrt3A_560 : vector<512x1xf32> to vector<512x128xf32>
    %mul3A_562 = arith.mulf %sub3A_549, %mul3A_561 : vector<512x128xf32>
    %mul3A_563 = vector.broadcast %broadcast_in_dim3A : vector<1x128xf32> to vector<512x128xf32>
    %mul3A_564 = arith.mulf %mul3A_562, %mul3A_563 : vector<512x128xf32>
    %add3A_565 = vector.broadcast %broadcast_in_dim3A_90 : vector<1x128xf32> to vector<512x128xf32>
    %add3A_566 = arith.addf %mul3A_564, %add3A_565 : vector<512x128xf32>
    %dot_general3A_567 = arith.constant dense<0.000000e+00> : vector<512x1024xf32>
    %dot_general3A_568 = tpu.matmul %add3A_566, %get3A_93, %dot_general3A_567 {dimension_numbers = #tpu.dot_dimension_numbers<[1], [0], [0], [1], [0, 0, 1, 1], [], []>, transpose_lhs_hint = false} : vector<512x128xf32>, vector<128x1024xf32>, vector<512x1024xf32> -> vector<512x1024xf32>
    %add3A_569 = vector.broadcast %broadcast_in_dim3A_96 : vector<1x1024xf32> to vector<512x1024xf32>
    %add3A_570 = arith.addf %dot_general3A_568, %add3A_569 : vector<512x1024xf32>
    %swap3A_571 = arith.constant 6 : index
    %swap3A_572 = arith.constant 0 : index
    %swap3A_573 = arith.constant 0 : index
    %swap3A_574 = vector.load %arg7[%swap3A_571, %swap3A_572, %swap3A_573] : memref<8x512x1024xf32, #tpu.memory_space<vmem>>, vector<1x512x1024xf32>
    %swap3A_575 = vector.shape_cast %swap3A_574 : vector<1x512x1024xf32> to vector<512x1024xf32>
    %swap3A_576 = vector.shape_cast %add3A_570 : vector<512x1024xf32> to vector<1x512x1024xf32>
    tpu.vector_store %arg7[%swap3A_571, %swap3A_572, %swap3A_573], %swap3A_576 {strides = array<i32>} : memref<8x512x1024xf32, #tpu.memory_space<vmem>>, vector<1x512x1024xf32>,
    %dma_start3A_577 = arith.constant 6 : i32
    %dma_start3A_578 = arith.constant 6 : i32
    %dma_start3A_579 = tpu.memref_slice %arg9[%dma_start3A_578] : memref<8x!tpu.dma_semaphore, #tpu.memory_space<semaphore_mem>> -> memref<1x!tpu.dma_semaphore, #tpu.memory_space<semaphore_mem>>
    %dma_start3A_580 = tpu.memref_squeeze %dma_start3A_579 : memref<1x!tpu.dma_semaphore, #tpu.memory_space<semaphore_mem>> -> memref<!tpu.dma_semaphore, #tpu.memory_space<semaphore_mem>>
    %dma_start3A_581 = arith.constant 3072 : i32
    %dma_start3A_582 = arith.constant 0 : i32
    %dma_start3A_583 = tpu.memref_slice %arg5[%dma_start3A_581, %dma_start3A_582] : memref<8192x1024xf32, #tpu.memory_space<any>> -> memref<512x1024xf32, #tpu.memory_space<any>>
    %dma_start3A_584 = arith.constant 0 : i32
    %dma_start3A_585 = arith.constant 0 : i32
    %dma_start3A_586 = tpu.memref_slice %arg7[%dma_start3A_577, %dma_start3A_584, %dma_start3A_585] : memref<8x512x1024xf32, #tpu.memory_space<vmem>> -> memref<1x512x1024xf32, #tpu.memory_space<vmem>>
    %dma_start3A_587 = tpu.memref_squeeze %dma_start3A_586 : memref<1x512x1024xf32, #tpu.memory_space<vmem>> -> memref<512x1024xf32, #tpu.memory_space<vmem>>
    tpu.enqueue_dma source(%dma_start3A_587 : memref<512x1024xf32, #tpu.memory_space<vmem>>) target(%dma_start3A_583 : memref<512x1024xf32, #tpu.memory_space<any>>) target_semaphore(%dma_start3A_580 : memref<!tpu.dma_semaphore, #tpu.memory_space<semaphore_mem>>)
    %dma_start3A_588 = arith.constant 6 : i32
    %dma_start3A_589 = arith.constant 6 : i32
    %dma_start3A_590 = tpu.memref_slice %arg8[%dma_start3A_589] : memref<8x!tpu.dma_semaphore, #tpu.memory_space<semaphore_mem>> -> memref<1x!tpu.dma_semaphore, #tpu.memory_space<semaphore_mem>>
    %dma_start3A_591 = tpu.memref_squeeze %dma_start3A_590 : memref<1x!tpu.dma_semaphore, #tpu.memory_space<semaphore_mem>> -> memref<!tpu.dma_semaphore, #tpu.memory_space<semaphore_mem>>
    %dma_start3A_592 = arith.constant 0 : i32
    %dma_start3A_593 = arith.constant 0 : i32
    %dma_start3A_594 = tpu.memref_slice %arg6[%dma_start3A_588, %dma_start3A_592, %dma_start3A_593] : memref<8x512x128xf32, #tpu.memory_space<vmem>> -> memref<1x512x128xf32, #tpu.memory_space<vmem>>
    %dma_start3A_595 = tpu.memref_squeeze %dma_start3A_594 : memref<1x512x128xf32, #tpu.memory_space<vmem>> -> memref<512x128xf32, #tpu.memory_space<vmem>>
    %dma_start3A_596 = arith.constant 7168 : i32
    %dma_start3A_597 = arith.constant 0 : i32
    %dma_start3A_598 = tpu.memref_slice %arg0[%dma_start3A_596, %dma_start3A_597] : memref<8192x128xf32, #tpu.memory_space<any>> -> memref<512x128xf32, #tpu.memory_space<any>>
    tpu.enqueue_dma source(%dma_start3A_598 : memref<512x128xf32, #tpu.memory_space<any>>) target(%dma_start3A_595 : memref<512x128xf32, #tpu.memory_space<vmem>>) target_semaphore(%dma_start3A_591 : memref<!tpu.dma_semaphore, #tpu.memory_space<semaphore_mem>>)
    %dma_wait3A_599 = arith.constant 7 : i32
    %dma_wait3A_600 = arith.constant 7 : i32
    %dma_wait3A_601 = tpu.memref_slice %arg8[%dma_wait3A_600] : memref<8x!tpu.dma_semaphore, #tpu.memory_space<semaphore_mem>> -> memref<1x!tpu.dma_semaphore, #tpu.memory_space<semaphore_mem>>
    %dma_wait3A_602 = tpu.memref_squeeze %dma_wait3A_601 : memref<1x!tpu.dma_semaphore, #tpu.memory_space<semaphore_mem>> -> memref<!tpu.dma_semaphore, #tpu.memory_space<semaphore_mem>>
    %dma_wait3A_603 = arith.constant 0 : i32
    %dma_wait3A_604 = arith.constant 0 : i32
    %dma_wait3A_605 = tpu.memref_slice %arg6[%dma_wait3A_599, %dma_wait3A_603, %dma_wait3A_604] : memref<8x512x128xf32, #tpu.memory_space<vmem>> -> memref<1x512x128xf32, #tpu.memory_space<vmem>>
    %dma_wait3A_606 = tpu.memref_squeeze %dma_wait3A_605 : memref<1x512x128xf32, #tpu.memory_space<vmem>> -> memref<512x128xf32, #tpu.memory_space<vmem>>
    %dma_wait3A_607 = arith.constant 3584 : i32
    %dma_wait3A_608 = arith.constant 0 : i32
    %dma_wait3A_609 = tpu.memref_slice %arg0[%dma_wait3A_607, %dma_wait3A_608] : memref<8192x128xf32, #tpu.memory_space<any>> -> memref<512x128xf32, #tpu.memory_space<any>>
    tpu.wait_dma2 semaphore(%dma_wait3A_602 : memref<!tpu.dma_semaphore, #tpu.memory_space<semaphore_mem>>) src(%dma_wait3A_609 : memref<512x128xf32, #tpu.memory_space<any>>) dst(%dma_wait3A_606 : memref<512x128xf32, #tpu.memory_space<vmem>>)
    %get3A_610 = arith.constant 7 : index
    %get3A_611 = arith.constant 0 : index
    %get3A_612 = arith.constant 0 : index
    %get3A_613 = vector.load %arg6[%get3A_610, %get3A_611, %get3A_612] : memref<8x512x128xf32, #tpu.memory_space<vmem>>, vector<1x512x128xf32>
    %get3A_614 = vector.shape_cast %get3A_613 : vector<1x512x128xf32> to vector<512x128xf32>
    %reduce_sum3A_615 = arith.constant dense<0.000000e+00> : vector<512xf32>
    %reduce_sum3A_616 = vector.multi_reduction <add>, %get3A_614, %reduce_sum3A_615 [1] : vector<512x128xf32> to vector<512xf32>
    %broadcast_in_dim3A_617 = vector.shape_cast %reduce_sum3A_616 : vector<512xf32> to vector<512x1xf32>
    %div3A_618 = arith.constant 1.280000e+02 : f32
    %div3A_619 = vector.broadcast %div3A_618 : f32 to vector<512x1xf32>
    %div3A_620 = arith.divf %broadcast_in_dim3A_617, %div3A_619 : vector<512x1xf32>
    %sub3A_621 = vector.broadcast %div3A_620 : vector<512x1xf32> to vector<512x128xf32>
    %sub3A_622 = arith.subf %get3A_614, %sub3A_621 : vector<512x128xf32>
    %mul3A_623 = arith.mulf %sub3A_622, %sub3A_622 : vector<512x128xf32>
    %reduce_sum3A_624 = arith.constant dense<0.000000e+00> : vector<512xf32>
    %reduce_sum3A_625 = vector.multi_reduction <add>, %mul3A_623, %reduce_sum3A_624 [1] : vector<512x128xf32> to vector<512xf32>
    %broadcast_in_dim3A_626 = vector.shape_cast %reduce_sum3A_625 : vector<512xf32> to vector<512x1xf32>
    %div3A_627 = arith.constant 1.280000e+02 : f32
    %div3A_628 = vector.broadcast %div3A_627 : f32 to vector<512x1xf32>
    %div3A_629 = arith.divf %broadcast_in_dim3A_626, %div3A_628 : vector<512x1xf32>
    %add3A_630 = arith.constant 9.99999996E-13 : f32
    %add3A_631 = vector.broadcast %add3A_630 : f32 to vector<512x1xf32>
    %add3A_632 = arith.addf %div3A_629, %add3A_631 : vector<512x1xf32>
    %rsqrt3A_633 = math.rsqrt %add3A_632 : vector<512x1xf32>
    %mul3A_634 = vector.broadcast %rsqrt3A_633 : vector<512x1xf32> to vector<512x128xf32>
    %mul3A_635 = arith.mulf %sub3A_622, %mul3A_634 : vector<512x128xf32>
    %mul3A_636 = vector.broadcast %broadcast_in_dim3A : vector<1x128xf32> to vector<512x128xf32>
    %mul3A_637 = arith.mulf %mul3A_635, %mul3A_636 : vector<512x128xf32>
    %add3A_638 = vector.broadcast %broadcast_in_dim3A_90 : vector<1x128xf32> to vector<512x128xf32>
    %add3A_639 = arith.addf %mul3A_637, %add3A_638 : vector<512x128xf32>
    %dot_general3A_640 = arith.constant dense<0.000000e+00> : vector<512x1024xf32>
    %dot_general3A_641 = tpu.matmul %add3A_639, %get3A_93, %dot_general3A_640 {dimension_numbers = #tpu.dot_dimension_numbers<[1], [0], [0], [1], [0, 0, 1, 1], [], []>, transpose_lhs_hint = false} : vector<512x128xf32>, vector<128x1024xf32>, vector<512x1024xf32> -> vector<512x1024xf32>
    %add3A_642 = vector.broadcast %broadcast_in_dim3A_96 : vector<1x1024xf32> to vector<512x1024xf32>
    %add3A_643 = arith.addf %dot_general3A_641, %add3A_642 : vector<512x1024xf32>
    %swap3A_644 = arith.constant 7 : index
    %swap3A_645 = arith.constant 0 : index
    %swap3A_646 = arith.constant 0 : index
    %swap3A_647 = vector.load %arg7[%swap3A_644, %swap3A_645, %swap3A_646] : memref<8x512x1024xf32, #tpu.memory_space<vmem>>, vector<1x512x1024xf32>
    %swap3A_648 = vector.shape_cast %swap3A_647 : vector<1x512x1024xf32> to vector<512x1024xf32>
    %swap3A_649 = vector.shape_cast %add3A_643 : vector<512x1024xf32> to vector<1x512x1024xf32>
    tpu.vector_store %arg7[%swap3A_644, %swap3A_645, %swap3A_646], %swap3A_649 {strides = array<i32>} : memref<8x512x1024xf32, #tpu.memory_space<vmem>>, vector<1x512x1024xf32>,
    %dma_start3A_650 = arith.constant 7 : i32
    %dma_start3A_651 = arith.constant 7 : i32
    %dma_start3A_652 = tpu.memref_slice %arg9[%dma_start3A_651] : memref<8x!tpu.dma_semaphore, #tpu.memory_space<semaphore_mem>> -> memref<1x!tpu.dma_semaphore, #tpu.memory_space<semaphore_mem>>
    %dma_start3A_653 = tpu.memref_squeeze %dma_start3A_652 : memref<1x!tpu.dma_semaphore, #tpu.memory_space<semaphore_mem>> -> memref<!tpu.dma_semaphore, #tpu.memory_space<semaphore_mem>>
    %dma_start3A_654 = arith.constant 3584 : i32
    %dma_start3A_655 = arith.constant 0 : i32
    %dma_start3A_656 = tpu.memref_slice %arg5[%dma_start3A_654, %dma_start3A_655] : memref<8192x1024xf32, #tpu.memory_space<any>> -> memref<512x1024xf32, #tpu.memory_space<any>>
    %dma_start3A_657 = arith.constant 0 : i32
    %dma_start3A_658 = arith.constant 0 : i32
    %dma_start3A_659 = tpu.memref_slice %arg7[%dma_start3A_650, %dma_start3A_657, %dma_start3A_658] : memref<8x512x1024xf32, #tpu.memory_space<vmem>> -> memref<1x512x1024xf32, #tpu.memory_space<vmem>>
    %dma_start3A_660 = tpu.memref_squeeze %dma_start3A_659 : memref<1x512x1024xf32, #tpu.memory_space<vmem>> -> memref<512x1024xf32, #tpu.memory_space<vmem>>
    tpu.enqueue_dma source(%dma_start3A_660 : memref<512x1024xf32, #tpu.memory_space<vmem>>) target(%dma_start3A_656 : memref<512x1024xf32, #tpu.memory_space<any>>) target_semaphore(%dma_start3A_653 : memref<!tpu.dma_semaphore, #tpu.memory_space<semaphore_mem>>)
    %dma_start3A_661 = arith.constant 7 : i32
    %dma_start3A_662 = arith.constant 7 : i32
    %dma_start3A_663 = tpu.memref_slice %arg8[%dma_start3A_662] : memref<8x!tpu.dma_semaphore, #tpu.memory_space<semaphore_mem>> -> memref<1x!tpu.dma_semaphore, #tpu.memory_space<semaphore_mem>>
    %dma_start3A_664 = tpu.memref_squeeze %dma_start3A_663 : memref<1x!tpu.dma_semaphore, #tpu.memory_space<semaphore_mem>> -> memref<!tpu.dma_semaphore, #tpu.memory_space<semaphore_mem>>
    %dma_start3A_665 = arith.constant 0 : i32
    %dma_start3A_666 = arith.constant 0 : i32
    %dma_start3A_667 = tpu.memref_slice %arg6[%dma_start3A_661, %dma_start3A_665, %dma_start3A_666] : memref<8x512x128xf32, #tpu.memory_space<vmem>> -> memref<1x512x128xf32, #tpu.memory_space<vmem>>
    %dma_start3A_668 = tpu.memref_squeeze %dma_start3A_667 : memref<1x512x128xf32, #tpu.memory_space<vmem>> -> memref<512x128xf32, #tpu.memory_space<vmem>>
    %dma_start3A_669 = arith.constant 7680 : i32
    %dma_start3A_670 = arith.constant 0 : i32
    %dma_start3A_671 = tpu.memref_slice %arg0[%dma_start3A_669, %dma_start3A_670] : memref<8192x128xf32, #tpu.memory_space<any>> -> memref<512x128xf32, #tpu.memory_space<any>>
    tpu.enqueue_dma source(%dma_start3A_671 : memref<512x128xf32, #tpu.memory_space<any>>) target(%dma_start3A_668 : memref<512x128xf32, #tpu.memory_space<vmem>>) target_semaphore(%dma_start3A_664 : memref<!tpu.dma_semaphore, #tpu.memory_space<semaphore_mem>>)
    %dma_wait3A_672 = arith.constant 0 : i32
    %dma_wait3A_673 = arith.constant 0 : i32
    %dma_wait3A_674 = tpu.memref_slice %arg8[%dma_wait3A_673] : memref<8x!tpu.dma_semaphore, #tpu.memory_space<semaphore_mem>> -> memref<1x!tpu.dma_semaphore, #tpu.memory_space<semaphore_mem>>
    %dma_wait3A_675 = tpu.memref_squeeze %dma_wait3A_674 : memref<1x!tpu.dma_semaphore, #tpu.memory_space<semaphore_mem>> -> memref<!tpu.dma_semaphore, #tpu.memory_space<semaphore_mem>>
    %dma_wait3A_676 = arith.constant 0 : i32
    %dma_wait3A_677 = arith.constant 0 : i32
    %dma_wait3A_678 = tpu.memref_slice %arg6[%dma_wait3A_672, %dma_wait3A_676, %dma_wait3A_677] : memref<8x512x128xf32, #tpu.memory_space<vmem>> -> memref<1x512x128xf32, #tpu.memory_space<vmem>>
    %dma_wait3A_679 = tpu.memref_squeeze %dma_wait3A_678 : memref<1x512x128xf32, #tpu.memory_space<vmem>> -> memref<512x128xf32, #tpu.memory_space<vmem>>
    %dma_wait3A_680 = arith.constant 4096 : i32
    %dma_wait3A_681 = arith.constant 0 : i32
    %dma_wait3A_682 = tpu.memref_slice %arg0[%dma_wait3A_680, %dma_wait3A_681] : memref<8192x128xf32, #tpu.memory_space<any>> -> memref<512x128xf32, #tpu.memory_space<any>>
    tpu.wait_dma2 semaphore(%dma_wait3A_675 : memref<!tpu.dma_semaphore, #tpu.memory_space<semaphore_mem>>) src(%dma_wait3A_682 : memref<512x128xf32, #tpu.memory_space<any>>) dst(%dma_wait3A_679 : memref<512x128xf32, #tpu.memory_space<vmem>>)
    %get3A_683 = arith.constant 0 : index
    %get3A_684 = arith.constant 0 : index
    %get3A_685 = arith.constant 0 : index
    %get3A_686 = vector.load %arg6[%get3A_683, %get3A_684, %get3A_685] : memref<8x512x128xf32, #tpu.memory_space<vmem>>, vector<1x512x128xf32>
    %get3A_687 = vector.shape_cast %get3A_686 : vector<1x512x128xf32> to vector<512x128xf32>
    %reduce_sum3A_688 = arith.constant dense<0.000000e+00> : vector<512xf32>
    %reduce_sum3A_689 = vector.multi_reduction <add>, %get3A_687, %reduce_sum3A_688 [1] : vector<512x128xf32> to vector<512xf32>
    %broadcast_in_dim3A_690 = vector.shape_cast %reduce_sum3A_689 : vector<512xf32> to vector<512x1xf32>
    %div3A_691 = arith.constant 1.280000e+02 : f32
    %div3A_692 = vector.broadcast %div3A_691 : f32 to vector<512x1xf32>
    %div3A_693 = arith.divf %broadcast_in_dim3A_690, %div3A_692 : vector<512x1xf32>
    %sub3A_694 = vector.broadcast %div3A_693 : vector<512x1xf32> to vector<512x128xf32>
    %sub3A_695 = arith.subf %get3A_687, %sub3A_694 : vector<512x128xf32>
    %mul3A_696 = arith.mulf %sub3A_695, %sub3A_695 : vector<512x128xf32>
    %reduce_sum3A_697 = arith.constant dense<0.000000e+00> : vector<512xf32>
    %reduce_sum3A_698 = vector.multi_reduction <add>, %mul3A_696, %reduce_sum3A_697 [1] : vector<512x128xf32> to vector<512xf32>
    %broadcast_in_dim3A_699 = vector.shape_cast %reduce_sum3A_698 : vector<512xf32> to vector<512x1xf32>
    %div3A_700 = arith.constant 1.280000e+02 : f32
    %div3A_701 = vector.broadcast %div3A_700 : f32 to vector<512x1xf32>
    %div3A_702 = arith.divf %broadcast_in_dim3A_699, %div3A_701 : vector<512x1xf32>
    %add3A_703 = arith.constant 9.99999996E-13 : f32
    %add3A_704 = vector.broadcast %add3A_703 : f32 to vector<512x1xf32>
    %add3A_705 = arith.addf %div3A_702, %add3A_704 : vector<512x1xf32>
    %rsqrt3A_706 = math.rsqrt %add3A_705 : vector<512x1xf32>
    %mul3A_707 = vector.broadcast %rsqrt3A_706 : vector<512x1xf32> to vector<512x128xf32>
    %mul3A_708 = arith.mulf %sub3A_695, %mul3A_707 : vector<512x128xf32>
    %mul3A_709 = vector.broadcast %broadcast_in_dim3A : vector<1x128xf32> to vector<512x128xf32>
    %mul3A_710 = arith.mulf %mul3A_708, %mul3A_709 : vector<512x128xf32>
    %add3A_711 = vector.broadcast %broadcast_in_dim3A_90 : vector<1x128xf32> to vector<512x128xf32>
    %add3A_712 = arith.addf %mul3A_710, %add3A_711 : vector<512x128xf32>
    %dma_wait3A_713 = arith.constant 0 : i32
    %dma_wait3A_714 = arith.constant 0 : i32
    %dma_wait3A_715 = tpu.memref_slice %arg9[%dma_wait3A_714] : memref<8x!tpu.dma_semaphore, #tpu.memory_space<semaphore_mem>> -> memref<1x!tpu.dma_semaphore, #tpu.memory_space<semaphore_mem>>
    %dma_wait3A_716 = tpu.memref_squeeze %dma_wait3A_715 : memref<1x!tpu.dma_semaphore, #tpu.memory_space<semaphore_mem>> -> memref<!tpu.dma_semaphore, #tpu.memory_space<semaphore_mem>>
    %dma_wait3A_717 = arith.constant 0 : i32
    %dma_wait3A_718 = arith.constant 0 : i32
    %dma_wait3A_719 = tpu.memref_slice %arg5[%dma_wait3A_717, %dma_wait3A_718] : memref<8192x1024xf32, #tpu.memory_space<any>> -> memref<512x1024xf32, #tpu.memory_space<any>>
    %dma_wait3A_720 = arith.constant 0 : i32
    %dma_wait3A_721 = arith.constant 0 : i32
    %dma_wait3A_722 = tpu.memref_slice %arg7[%dma_wait3A_713, %dma_wait3A_720, %dma_wait3A_721] : memref<8x512x1024xf32, #tpu.memory_space<vmem>> -> memref<1x512x1024xf32, #tpu.memory_space<vmem>>
    %dma_wait3A_723 = tpu.memref_squeeze %dma_wait3A_722 : memref<1x512x1024xf32, #tpu.memory_space<vmem>> -> memref<512x1024xf32, #tpu.memory_space<vmem>>
    tpu.wait_dma2 semaphore(%dma_wait3A_716 : memref<!tpu.dma_semaphore, #tpu.memory_space<semaphore_mem>>) src(%dma_wait3A_723 : memref<512x1024xf32, #tpu.memory_space<vmem>>) dst(%dma_wait3A_719 : memref<512x1024xf32, #tpu.memory_space<any>>)
    %dot_general3A_724 = arith.constant dense<0.000000e+00> : vector<512x1024xf32>
    %dot_general3A_725 = tpu.matmul %add3A_712, %get3A_93, %dot_general3A_724 {dimension_numbers = #tpu.dot_dimension_numbers<[1], [0], [0], [1], [0, 0, 1, 1], [], []>, transpose_lhs_hint = false} : vector<512x128xf32>, vector<128x1024xf32>, vector<512x1024xf32> -> vector<512x1024xf32>
    %add3A_726 = vector.broadcast %broadcast_in_dim3A_96 : vector<1x1024xf32> to vector<512x1024xf32>
    %add3A_727 = arith.addf %dot_general3A_725, %add3A_726 : vector<512x1024xf32>
    %swap3A_728 = arith.constant 0 : index
    %swap3A_729 = arith.constant 0 : index
    %swap3A_730 = arith.constant 0 : index
    %swap3A_731 = vector.load %arg7[%swap3A_728, %swap3A_729, %swap3A_730] : memref<8x512x1024xf32, #tpu.memory_space<vmem>>, vector<1x512x1024xf32>
    %swap3A_732 = vector.shape_cast %swap3A_731 : vector<1x512x1024xf32> to vector<512x1024xf32>
    %swap3A_733 = vector.shape_cast %add3A_727 : vector<512x1024xf32> to vector<1x512x1024xf32>
    tpu.vector_store %arg7[%swap3A_728, %swap3A_729, %swap3A_730], %swap3A_733 {strides = array<i32>} : memref<8x512x1024xf32, #tpu.memory_space<vmem>>, vector<1x512x1024xf32>,
    %dma_start3A_734 = arith.constant 0 : i32
    %dma_start3A_735 = arith.constant 0 : i32
    %dma_start3A_736 = tpu.memref_slice %arg9[%dma_start3A_735] : memref<8x!tpu.dma_semaphore, #tpu.memory_space<semaphore_mem>> -> memref<1x!tpu.dma_semaphore, #tpu.memory_space<semaphore_mem>>
    %dma_start3A_737 = tpu.memref_squeeze %dma_start3A_736 : memref<1x!tpu.dma_semaphore, #tpu.memory_space<semaphore_mem>> -> memref<!tpu.dma_semaphore, #tpu.memory_space<semaphore_mem>>
    %dma_start3A_738 = arith.constant 4096 : i32
    %dma_start3A_739 = arith.constant 0 : i32
    %dma_start3A_740 = tpu.memref_slice %arg5[%dma_start3A_738, %dma_start3A_739] : memref<8192x1024xf32, #tpu.memory_space<any>> -> memref<512x1024xf32, #tpu.memory_space<any>>
    %dma_start3A_741 = arith.constant 0 : i32
    %dma_start3A_742 = arith.constant 0 : i32
    %dma_start3A_743 = tpu.memref_slice %arg7[%dma_start3A_734, %dma_start3A_741, %dma_start3A_742] : memref<8x512x1024xf32, #tpu.memory_space<vmem>> -> memref<1x512x1024xf32, #tpu.memory_space<vmem>>
    %dma_start3A_744 = tpu.memref_squeeze %dma_start3A_743 : memref<1x512x1024xf32, #tpu.memory_space<vmem>> -> memref<512x1024xf32, #tpu.memory_space<vmem>>
    tpu.enqueue_dma source(%dma_start3A_744 : memref<512x1024xf32, #tpu.memory_space<vmem>>) target(%dma_start3A_740 : memref<512x1024xf32, #tpu.memory_space<any>>) target_semaphore(%dma_start3A_737 : memref<!tpu.dma_semaphore, #tpu.memory_space<semaphore_mem>>)
    %dma_wait3A_745 = arith.constant 1 : i32
    %dma_wait3A_746 = arith.constant 1 : i32
    %dma_wait3A_747 = tpu.memref_slice %arg8[%dma_wait3A_746] : memref<8x!tpu.dma_semaphore, #tpu.memory_space<semaphore_mem>> -> memref<1x!tpu.dma_semaphore, #tpu.memory_space<semaphore_mem>>
    %dma_wait3A_748 = tpu.memref_squeeze %dma_wait3A_747 : memref<1x!tpu.dma_semaphore, #tpu.memory_space<semaphore_mem>> -> memref<!tpu.dma_semaphore, #tpu.memory_space<semaphore_mem>>
    %dma_wait3A_749 = arith.constant 0 : i32
    %dma_wait3A_750 = arith.constant 0 : i32
    %dma_wait3A_751 = tpu.memref_slice %arg6[%dma_wait3A_745, %dma_wait3A_749, %dma_wait3A_750] : memref<8x512x128xf32, #tpu.memory_space<vmem>> -> memref<1x512x128xf32, #tpu.memory_space<vmem>>
    %dma_wait3A_752 = tpu.memref_squeeze %dma_wait3A_751 : memref<1x512x128xf32, #tpu.memory_space<vmem>> -> memref<512x128xf32, #tpu.memory_space<vmem>>
    %dma_wait3A_753 = arith.constant 4608 : i32
    %dma_wait3A_754 = arith.constant 0 : i32
    %dma_wait3A_755 = tpu.memref_slice %arg0[%dma_wait3A_753, %dma_wait3A_754] : memref<8192x128xf32, #tpu.memory_space<any>> -> memref<512x128xf32, #tpu.memory_space<any>>
    tpu.wait_dma2 semaphore(%dma_wait3A_748 : memref<!tpu.dma_semaphore, #tpu.memory_space<semaphore_mem>>) src(%dma_wait3A_755 : memref<512x128xf32, #tpu.memory_space<any>>) dst(%dma_wait3A_752 : memref<512x128xf32, #tpu.memory_space<vmem>>)
    %get3A_756 = arith.constant 1 : index
    %get3A_757 = arith.constant 0 : index
    %get3A_758 = arith.constant 0 : index
    %get3A_759 = vector.load %arg6[%get3A_756, %get3A_757, %get3A_758] : memref<8x512x128xf32, #tpu.memory_space<vmem>>, vector<1x512x128xf32>
    %get3A_760 = vector.shape_cast %get3A_759 : vector<1x512x128xf32> to vector<512x128xf32>
    %reduce_sum3A_761 = arith.constant dense<0.000000e+00> : vector<512xf32>
    %reduce_sum3A_762 = vector.multi_reduction <add>, %get3A_760, %reduce_sum3A_761 [1] : vector<512x128xf32> to vector<512xf32>
    %broadcast_in_dim3A_763 = vector.shape_cast %reduce_sum3A_762 : vector<512xf32> to vector<512x1xf32>
    %div3A_764 = arith.constant 1.280000e+02 : f32
    %div3A_765 = vector.broadcast %div3A_764 : f32 to vector<512x1xf32>
    %div3A_766 = arith.divf %broadcast_in_dim3A_763, %div3A_765 : vector<512x1xf32>
    %sub3A_767 = vector.broadcast %div3A_766 : vector<512x1xf32> to vector<512x128xf32>
    %sub3A_768 = arith.subf %get3A_760, %sub3A_767 : vector<512x128xf32>
    %mul3A_769 = arith.mulf %sub3A_768, %sub3A_768 : vector<512x128xf32>
    %reduce_sum3A_770 = arith.constant dense<0.000000e+00> : vector<512xf32>
    %reduce_sum3A_771 = vector.multi_reduction <add>, %mul3A_769, %reduce_sum3A_770 [1] : vector<512x128xf32> to vector<512xf32>
    %broadcast_in_dim3A_772 = vector.shape_cast %reduce_sum3A_771 : vector<512xf32> to vector<512x1xf32>
    %div3A_773 = arith.constant 1.280000e+02 : f32
    %div3A_774 = vector.broadcast %div3A_773 : f32 to vector<512x1xf32>
    %div3A_775 = arith.divf %broadcast_in_dim3A_772, %div3A_774 : vector<512x1xf32>
    %add3A_776 = arith.constant 9.99999996E-13 : f32
    %add3A_777 = vector.broadcast %add3A_776 : f32 to vector<512x1xf32>
    %add3A_778 = arith.addf %div3A_775, %add3A_777 : vector<512x1xf32>
    %rsqrt3A_779 = math.rsqrt %add3A_778 : vector<512x1xf32>
    %mul3A_780 = vector.broadcast %rsqrt3A_779 : vector<512x1xf32> to vector<512x128xf32>
    %mul3A_781 = arith.mulf %sub3A_768, %mul3A_780 : vector<512x128xf32>
    %mul3A_782 = vector.broadcast %broadcast_in_dim3A : vector<1x128xf32> to vector<512x128xf32>
    %mul3A_783 = arith.mulf %mul3A_781, %mul3A_782 : vector<512x128xf32>
    %add3A_784 = vector.broadcast %broadcast_in_dim3A_90 : vector<1x128xf32> to vector<512x128xf32>
    %add3A_785 = arith.addf %mul3A_783, %add3A_784 : vector<512x128xf32>
    %dma_wait3A_786 = arith.constant 1 : i32
    %dma_wait3A_787 = arith.constant 1 : i32
    %dma_wait3A_788 = tpu.memref_slice %arg9[%dma_wait3A_787] : memref<8x!tpu.dma_semaphore, #tpu.memory_space<semaphore_mem>> -> memref<1x!tpu.dma_semaphore, #tpu.memory_space<semaphore_mem>>
    %dma_wait3A_789 = tpu.memref_squeeze %dma_wait3A_788 : memref<1x!tpu.dma_semaphore, #tpu.memory_space<semaphore_mem>> -> memref<!tpu.dma_semaphore, #tpu.memory_space<semaphore_mem>>
    %dma_wait3A_790 = arith.constant 512 : i32
    %dma_wait3A_791 = arith.constant 0 : i32
    %dma_wait3A_792 = tpu.memref_slice %arg5[%dma_wait3A_790, %dma_wait3A_791] : memref<8192x1024xf32, #tpu.memory_space<any>> -> memref<512x1024xf32, #tpu.memory_space<any>>
    %dma_wait3A_793 = arith.constant 0 : i32
    %dma_wait3A_794 = arith.constant 0 : i32
    %dma_wait3A_795 = tpu.memref_slice %arg7[%dma_wait3A_786, %dma_wait3A_793, %dma_wait3A_794] : memref<8x512x1024xf32, #tpu.memory_space<vmem>> -> memref<1x512x1024xf32, #tpu.memory_space<vmem>>
    %dma_wait3A_796 = tpu.memref_squeeze %dma_wait3A_795 : memref<1x512x1024xf32, #tpu.memory_space<vmem>> -> memref<512x1024xf32, #tpu.memory_space<vmem>>
    tpu.wait_dma2 semaphore(%dma_wait3A_789 : memref<!tpu.dma_semaphore, #tpu.memory_space<semaphore_mem>>) src(%dma_wait3A_796 : memref<512x1024xf32, #tpu.memory_space<vmem>>) dst(%dma_wait3A_792 : memref<512x1024xf32, #tpu.memory_space<any>>)
    %dot_general3A_797 = arith.constant dense<0.000000e+00> : vector<512x1024xf32>
    %dot_general3A_798 = tpu.matmul %add3A_785, %get3A_93, %dot_general3A_797 {dimension_numbers = #tpu.dot_dimension_numbers<[1], [0], [0], [1], [0, 0, 1, 1], [], []>, transpose_lhs_hint = false} : vector<512x128xf32>, vector<128x1024xf32>, vector<512x1024xf32> -> vector<512x1024xf32>
    %add3A_799 = vector.broadcast %broadcast_in_dim3A_96 : vector<1x1024xf32> to vector<512x1024xf32>
    %add3A_800 = arith.addf %dot_general3A_798, %add3A_799 : vector<512x1024xf32>
    %swap3A_801 = arith.constant 1 : index
    %swap3A_802 = arith.constant 0 : index
    %swap3A_803 = arith.constant 0 : index
    %swap3A_804 = vector.load %arg7[%swap3A_801, %swap3A_802, %swap3A_803] : memref<8x512x1024xf32, #tpu.memory_space<vmem>>, vector<1x512x1024xf32>
    %swap3A_805 = vector.shape_cast %swap3A_804 : vector<1x512x1024xf32> to vector<512x1024xf32>
    %swap3A_806 = vector.shape_cast %add3A_800 : vector<512x1024xf32> to vector<1x512x1024xf32>
    tpu.vector_store %arg7[%swap3A_801, %swap3A_802, %swap3A_803], %swap3A_806 {strides = array<i32>} : memref<8x512x1024xf32, #tpu.memory_space<vmem>>, vector<1x512x1024xf32>,
    %dma_start3A_807 = arith.constant 1 : i32
    %dma_start3A_808 = arith.constant 1 : i32
    %dma_start3A_809 = tpu.memref_slice %arg9[%dma_start3A_808] : memref<8x!tpu.dma_semaphore, #tpu.memory_space<semaphore_mem>> -> memref<1x!tpu.dma_semaphore, #tpu.memory_space<semaphore_mem>>
    %dma_start3A_810 = tpu.memref_squeeze %dma_start3A_809 : memref<1x!tpu.dma_semaphore, #tpu.memory_space<semaphore_mem>> -> memref<!tpu.dma_semaphore, #tpu.memory_space<semaphore_mem>>
    %dma_start3A_811 = arith.constant 4608 : i32
    %dma_start3A_812 = arith.constant 0 : i32
    %dma_start3A_813 = tpu.memref_slice %arg5[%dma_start3A_811, %dma_start3A_812] : memref<8192x1024xf32, #tpu.memory_space<any>> -> memref<512x1024xf32, #tpu.memory_space<any>>
    %dma_start3A_814 = arith.constant 0 : i32
    %dma_start3A_815 = arith.constant 0 : i32
    %dma_start3A_816 = tpu.memref_slice %arg7[%dma_start3A_807, %dma_start3A_814, %dma_start3A_815] : memref<8x512x1024xf32, #tpu.memory_space<vmem>> -> memref<1x512x1024xf32, #tpu.memory_space<vmem>>
    %dma_start3A_817 = tpu.memref_squeeze %dma_start3A_816 : memref<1x512x1024xf32, #tpu.memory_space<vmem>> -> memref<512x1024xf32, #tpu.memory_space<vmem>>
    tpu.enqueue_dma source(%dma_start3A_817 : memref<512x1024xf32, #tpu.memory_space<vmem>>) target(%dma_start3A_813 : memref<512x1024xf32, #tpu.memory_space<any>>) target_semaphore(%dma_start3A_810 : memref<!tpu.dma_semaphore, #tpu.memory_space<semaphore_mem>>)
    %dma_wait3A_818 = arith.constant 2 : i32
    %dma_wait3A_819 = arith.constant 2 : i32
    %dma_wait3A_820 = tpu.memref_slice %arg8[%dma_wait3A_819] : memref<8x!tpu.dma_semaphore, #tpu.memory_space<semaphore_mem>> -> memref<1x!tpu.dma_semaphore, #tpu.memory_space<semaphore_mem>>
    %dma_wait3A_821 = tpu.memref_squeeze %dma_wait3A_820 : memref<1x!tpu.dma_semaphore, #tpu.memory_space<semaphore_mem>> -> memref<!tpu.dma_semaphore, #tpu.memory_space<semaphore_mem>>
    %dma_wait3A_822 = arith.constant 0 : i32
    %dma_wait3A_823 = arith.constant 0 : i32
    %dma_wait3A_824 = tpu.memref_slice %arg6[%dma_wait3A_818, %dma_wait3A_822, %dma_wait3A_823] : memref<8x512x128xf32, #tpu.memory_space<vmem>> -> memref<1x512x128xf32, #tpu.memory_space<vmem>>
    %dma_wait3A_825 = tpu.memref_squeeze %dma_wait3A_824 : memref<1x512x128xf32, #tpu.memory_space<vmem>> -> memref<512x128xf32, #tpu.memory_space<vmem>>
    %dma_wait3A_826 = arith.constant 5120 : i32
    %dma_wait3A_827 = arith.constant 0 : i32
    %dma_wait3A_828 = tpu.memref_slice %arg0[%dma_wait3A_826, %dma_wait3A_827] : memref<8192x128xf32, #tpu.memory_space<any>> -> memref<512x128xf32, #tpu.memory_space<any>>
    tpu.wait_dma2 semaphore(%dma_wait3A_821 : memref<!tpu.dma_semaphore, #tpu.memory_space<semaphore_mem>>) src(%dma_wait3A_828 : memref<512x128xf32, #tpu.memory_space<any>>) dst(%dma_wait3A_825 : memref<512x128xf32, #tpu.memory_space<vmem>>)
    %get3A_829 = arith.constant 2 : index
    %get3A_830 = arith.constant 0 : index
    %get3A_831 = arith.constant 0 : index
    %get3A_832 = vector.load %arg6[%get3A_829, %get3A_830, %get3A_831] : memref<8x512x128xf32, #tpu.memory_space<vmem>>, vector<1x512x128xf32>
    %get3A_833 = vector.shape_cast %get3A_832 : vector<1x512x128xf32> to vector<512x128xf32>
    %reduce_sum3A_834 = arith.constant dense<0.000000e+00> : vector<512xf32>
    %reduce_sum3A_835 = vector.multi_reduction <add>, %get3A_833, %reduce_sum3A_834 [1] : vector<512x128xf32> to vector<512xf32>
    %broadcast_in_dim3A_836 = vector.shape_cast %reduce_sum3A_835 : vector<512xf32> to vector<512x1xf32>
    %div3A_837 = arith.constant 1.280000e+02 : f32
    %div3A_838 = vector.broadcast %div3A_837 : f32 to vector<512x1xf32>
    %div3A_839 = arith.divf %broadcast_in_dim3A_836, %div3A_838 : vector<512x1xf32>
    %sub3A_840 = vector.broadcast %div3A_839 : vector<512x1xf32> to vector<512x128xf32>
    %sub3A_841 = arith.subf %get3A_833, %sub3A_840 : vector<512x128xf32>
    %mul3A_842 = arith.mulf %sub3A_841, %sub3A_841 : vector<512x128xf32>
    %reduce_sum3A_843 = arith.constant dense<0.000000e+00> : vector<512xf32>
    %reduce_sum3A_844 = vector.multi_reduction <add>, %mul3A_842, %reduce_sum3A_843 [1] : vector<512x128xf32> to vector<512xf32>
    %broadcast_in_dim3A_845 = vector.shape_cast %reduce_sum3A_844 : vector<512xf32> to vector<512x1xf32>
    %div3A_846 = arith.constant 1.280000e+02 : f32
    %div3A_847 = vector.broadcast %div3A_846 : f32 to vector<512x1xf32>
    %div3A_848 = arith.divf %broadcast_in_dim3A_845, %div3A_847 : vector<512x1xf32>
    %add3A_849 = arith.constant 9.99999996E-13 : f32
    %add3A_850 = vector.broadcast %add3A_849 : f32 to vector<512x1xf32>
    %add3A_851 = arith.addf %div3A_848, %add3A_850 : vector<512x1xf32>
    %rsqrt3A_852 = math.rsqrt %add3A_851 : vector<512x1xf32>
    %mul3A_853 = vector.broadcast %rsqrt3A_852 : vector<512x1xf32> to vector<512x128xf32>
    %mul3A_854 = arith.mulf %sub3A_841, %mul3A_853 : vector<512x128xf32>
    %mul3A_855 = vector.broadcast %broadcast_in_dim3A : vector<1x128xf32> to vector<512x128xf32>
    %mul3A_856 = arith.mulf %mul3A_854, %mul3A_855 : vector<512x128xf32>
    %add3A_857 = vector.broadcast %broadcast_in_dim3A_90 : vector<1x128xf32> to vector<512x128xf32>
    %add3A_858 = arith.addf %mul3A_856, %add3A_857 : vector<512x128xf32>
    %dma_wait3A_859 = arith.constant 2 : i32
    %dma_wait3A_860 = arith.constant 2 : i32
    %dma_wait3A_861 = tpu.memref_slice %arg9[%dma_wait3A_860] : memref<8x!tpu.dma_semaphore, #tpu.memory_space<semaphore_mem>> -> memref<1x!tpu.dma_semaphore, #tpu.memory_space<semaphore_mem>>
    %dma_wait3A_862 = tpu.memref_squeeze %dma_wait3A_861 : memref<1x!tpu.dma_semaphore, #tpu.memory_space<semaphore_mem>> -> memref<!tpu.dma_semaphore, #tpu.memory_space<semaphore_mem>>
    %dma_wait3A_863 = arith.constant 1024 : i32
    %dma_wait3A_864 = arith.constant 0 : i32
    %dma_wait3A_865 = tpu.memref_slice %arg5[%dma_wait3A_863, %dma_wait3A_864] : memref<8192x1024xf32, #tpu.memory_space<any>> -> memref<512x1024xf32, #tpu.memory_space<any>>
    %dma_wait3A_866 = arith.constant 0 : i32
    %dma_wait3A_867 = arith.constant 0 : i32
    %dma_wait3A_868 = tpu.memref_slice %arg7[%dma_wait3A_859, %dma_wait3A_866, %dma_wait3A_867] : memref<8x512x1024xf32, #tpu.memory_space<vmem>> -> memref<1x512x1024xf32, #tpu.memory_space<vmem>>
    %dma_wait3A_869 = tpu.memref_squeeze %dma_wait3A_868 : memref<1x512x1024xf32, #tpu.memory_space<vmem>> -> memref<512x1024xf32, #tpu.memory_space<vmem>>
    tpu.wait_dma2 semaphore(%dma_wait3A_862 : memref<!tpu.dma_semaphore, #tpu.memory_space<semaphore_mem>>) src(%dma_wait3A_869 : memref<512x1024xf32, #tpu.memory_space<vmem>>) dst(%dma_wait3A_865 : memref<512x1024xf32, #tpu.memory_space<any>>)
    %dot_general3A_870 = arith.constant dense<0.000000e+00> : vector<512x1024xf32>
    %dot_general3A_871 = tpu.matmul %add3A_858, %get3A_93, %dot_general3A_870 {dimension_numbers = #tpu.dot_dimension_numbers<[1], [0], [0], [1], [0, 0, 1, 1], [], []>, transpose_lhs_hint = false} : vector<512x128xf32>, vector<128x1024xf32>, vector<512x1024xf32> -> vector<512x1024xf32>
    %add3A_872 = vector.broadcast %broadcast_in_dim3A_96 : vector<1x1024xf32> to vector<512x1024xf32>
    %add3A_873 = arith.addf %dot_general3A_871, %add3A_872 : vector<512x1024xf32>
    %swap3A_874 = arith.constant 2 : index
    %swap3A_875 = arith.constant 0 : index
    %swap3A_876 = arith.constant 0 : index
    %swap3A_877 = vector.load %arg7[%swap3A_874, %swap3A_875, %swap3A_876] : memref<8x512x1024xf32, #tpu.memory_space<vmem>>, vector<1x512x1024xf32>
    %swap3A_878 = vector.shape_cast %swap3A_877 : vector<1x512x1024xf32> to vector<512x1024xf32>
    %swap3A_879 = vector.shape_cast %add3A_873 : vector<512x1024xf32> to vector<1x512x1024xf32>
    tpu.vector_store %arg7[%swap3A_874, %swap3A_875, %swap3A_876], %swap3A_879 {strides = array<i32>} : memref<8x512x1024xf32, #tpu.memory_space<vmem>>, vector<1x512x1024xf32>,
    %dma_start3A_880 = arith.constant 2 : i32
    %dma_start3A_881 = arith.constant 2 : i32
    %dma_start3A_882 = tpu.memref_slice %arg9[%dma_start3A_881] : memref<8x!tpu.dma_semaphore, #tpu.memory_space<semaphore_mem>> -> memref<1x!tpu.dma_semaphore, #tpu.memory_space<semaphore_mem>>
    %dma_start3A_883 = tpu.memref_squeeze %dma_start3A_882 : memref<1x!tpu.dma_semaphore, #tpu.memory_space<semaphore_mem>> -> memref<!tpu.dma_semaphore, #tpu.memory_space<semaphore_mem>>
    %dma_start3A_884 = arith.constant 5120 : i32
    %dma_start3A_885 = arith.constant 0 : i32
    %dma_start3A_886 = tpu.memref_slice %arg5[%dma_start3A_884, %dma_start3A_885] : memref<8192x1024xf32, #tpu.memory_space<any>> -> memref<512x1024xf32, #tpu.memory_space<any>>
    %dma_start3A_887 = arith.constant 0 : i32
    %dma_start3A_888 = arith.constant 0 : i32
    %dma_start3A_889 = tpu.memref_slice %arg7[%dma_start3A_880, %dma_start3A_887, %dma_start3A_888] : memref<8x512x1024xf32, #tpu.memory_space<vmem>> -> memref<1x512x1024xf32, #tpu.memory_space<vmem>>
    %dma_start3A_890 = tpu.memref_squeeze %dma_start3A_889 : memref<1x512x1024xf32, #tpu.memory_space<vmem>> -> memref<512x1024xf32, #tpu.memory_space<vmem>>
    tpu.enqueue_dma source(%dma_start3A_890 : memref<512x1024xf32, #tpu.memory_space<vmem>>) target(%dma_start3A_886 : memref<512x1024xf32, #tpu.memory_space<any>>) target_semaphore(%dma_start3A_883 : memref<!tpu.dma_semaphore, #tpu.memory_space<semaphore_mem>>)
    %dma_wait3A_891 = arith.constant 3 : i32
    %dma_wait3A_892 = arith.constant 3 : i32
    %dma_wait3A_893 = tpu.memref_slice %arg8[%dma_wait3A_892] : memref<8x!tpu.dma_semaphore, #tpu.memory_space<semaphore_mem>> -> memref<1x!tpu.dma_semaphore, #tpu.memory_space<semaphore_mem>>
    %dma_wait3A_894 = tpu.memref_squeeze %dma_wait3A_893 : memref<1x!tpu.dma_semaphore, #tpu.memory_space<semaphore_mem>> -> memref<!tpu.dma_semaphore, #tpu.memory_space<semaphore_mem>>
    %dma_wait3A_895 = arith.constant 0 : i32
    %dma_wait3A_896 = arith.constant 0 : i32
    %dma_wait3A_897 = tpu.memref_slice %arg6[%dma_wait3A_891, %dma_wait3A_895, %dma_wait3A_896] : memref<8x512x128xf32, #tpu.memory_space<vmem>> -> memref<1x512x128xf32, #tpu.memory_space<vmem>>
    %dma_wait3A_898 = tpu.memref_squeeze %dma_wait3A_897 : memref<1x512x128xf32, #tpu.memory_space<vmem>> -> memref<512x128xf32, #tpu.memory_space<vmem>>
    %dma_wait3A_899 = arith.constant 5632 : i32
    %dma_wait3A_900 = arith.constant 0 : i32
    %dma_wait3A_901 = tpu.memref_slice %arg0[%dma_wait3A_899, %dma_wait3A_900] : memref<8192x128xf32, #tpu.memory_space<any>> -> memref<512x128xf32, #tpu.memory_space<any>>
    tpu.wait_dma2 semaphore(%dma_wait3A_894 : memref<!tpu.dma_semaphore, #tpu.memory_space<semaphore_mem>>) src(%dma_wait3A_901 : memref<512x128xf32, #tpu.memory_space<any>>) dst(%dma_wait3A_898 : memref<512x128xf32, #tpu.memory_space<vmem>>)
    %get3A_902 = arith.constant 3 : index
    %get3A_903 = arith.constant 0 : index
    %get3A_904 = arith.constant 0 : index
    %get3A_905 = vector.load %arg6[%get3A_902, %get3A_903, %get3A_904] : memref<8x512x128xf32, #tpu.memory_space<vmem>>, vector<1x512x128xf32>
    %get3A_906 = vector.shape_cast %get3A_905 : vector<1x512x128xf32> to vector<512x128xf32>
    %reduce_sum3A_907 = arith.constant dense<0.000000e+00> : vector<512xf32>
    %reduce_sum3A_908 = vector.multi_reduction <add>, %get3A_906, %reduce_sum3A_907 [1] : vector<512x128xf32> to vector<512xf32>
    %broadcast_in_dim3A_909 = vector.shape_cast %reduce_sum3A_908 : vector<512xf32> to vector<512x1xf32>
    %div3A_910 = arith.constant 1.280000e+02 : f32
    %div3A_911 = vector.broadcast %div3A_910 : f32 to vector<512x1xf32>
    %div3A_912 = arith.divf %broadcast_in_dim3A_909, %div3A_911 : vector<512x1xf32>
    %sub3A_913 = vector.broadcast %div3A_912 : vector<512x1xf32> to vector<512x128xf32>
    %sub3A_914 = arith.subf %get3A_906, %sub3A_913 : vector<512x128xf32>
    %mul3A_915 = arith.mulf %sub3A_914, %sub3A_914 : vector<512x128xf32>
    %reduce_sum3A_916 = arith.constant dense<0.000000e+00> : vector<512xf32>
    %reduce_sum3A_917 = vector.multi_reduction <add>, %mul3A_915, %reduce_sum3A_916 [1] : vector<512x128xf32> to vector<512xf32>
    %broadcast_in_dim3A_918 = vector.shape_cast %reduce_sum3A_917 : vector<512xf32> to vector<512x1xf32>
    %div3A_919 = arith.constant 1.280000e+02 : f32
    %div3A_920 = vector.broadcast %div3A_919 : f32 to vector<512x1xf32>
    %div3A_921 = arith.divf %broadcast_in_dim3A_918, %div3A_920 : vector<512x1xf32>
    %add3A_922 = arith.constant 9.99999996E-13 : f32
    %add3A_923 = vector.broadcast %add3A_922 : f32 to vector<512x1xf32>
    %add3A_924 = arith.addf %div3A_921, %add3A_923 : vector<512x1xf32>
    %rsqrt3A_925 = math.rsqrt %add3A_924 : vector<512x1xf32>
    %mul3A_926 = vector.broadcast %rsqrt3A_925 : vector<512x1xf32> to vector<512x128xf32>
    %mul3A_927 = arith.mulf %sub3A_914, %mul3A_926 : vector<512x128xf32>
    %mul3A_928 = vector.broadcast %broadcast_in_dim3A : vector<1x128xf32> to vector<512x128xf32>
    %mul3A_929 = arith.mulf %mul3A_927, %mul3A_928 : vector<512x128xf32>
    %add3A_930 = vector.broadcast %broadcast_in_dim3A_90 : vector<1x128xf32> to vector<512x128xf32>
    %add3A_931 = arith.addf %mul3A_929, %add3A_930 : vector<512x128xf32>
    %dma_wait3A_932 = arith.constant 3 : i32
    %dma_wait3A_933 = arith.constant 3 : i32
    %dma_wait3A_934 = tpu.memref_slice %arg9[%dma_wait3A_933] : memref<8x!tpu.dma_semaphore, #tpu.memory_space<semaphore_mem>> -> memref<1x!tpu.dma_semaphore, #tpu.memory_space<semaphore_mem>>
    %dma_wait3A_935 = tpu.memref_squeeze %dma_wait3A_934 : memref<1x!tpu.dma_semaphore, #tpu.memory_space<semaphore_mem>> -> memref<!tpu.dma_semaphore, #tpu.memory_space<semaphore_mem>>
    %dma_wait3A_936 = arith.constant 1536 : i32
    %dma_wait3A_937 = arith.constant 0 : i32
    %dma_wait3A_938 = tpu.memref_slice %arg5[%dma_wait3A_936, %dma_wait3A_937] : memref<8192x1024xf32, #tpu.memory_space<any>> -> memref<512x1024xf32, #tpu.memory_space<any>>
    %dma_wait3A_939 = arith.constant 0 : i32
    %dma_wait3A_940 = arith.constant 0 : i32
    %dma_wait3A_941 = tpu.memref_slice %arg7[%dma_wait3A_932, %dma_wait3A_939, %dma_wait3A_940] : memref<8x512x1024xf32, #tpu.memory_space<vmem>> -> memref<1x512x1024xf32, #tpu.memory_space<vmem>>
    %dma_wait3A_942 = tpu.memref_squeeze %dma_wait3A_941 : memref<1x512x1024xf32, #tpu.memory_space<vmem>> -> memref<512x1024xf32, #tpu.memory_space<vmem>>
    tpu.wait_dma2 semaphore(%dma_wait3A_935 : memref<!tpu.dma_semaphore, #tpu.memory_space<semaphore_mem>>) src(%dma_wait3A_942 : memref<512x1024xf32, #tpu.memory_space<vmem>>) dst(%dma_wait3A_938 : memref<512x1024xf32, #tpu.memory_space<any>>)
    %dot_general3A_943 = arith.constant dense<0.000000e+00> : vector<512x1024xf32>
    %dot_general3A_944 = tpu.matmul %add3A_931, %get3A_93, %dot_general3A_943 {dimension_numbers = #tpu.dot_dimension_numbers<[1], [0], [0], [1], [0, 0, 1, 1], [], []>, transpose_lhs_hint = false} : vector<512x128xf32>, vector<128x1024xf32>, vector<512x1024xf32> -> vector<512x1024xf32>
    %add3A_945 = vector.broadcast %broadcast_in_dim3A_96 : vector<1x1024xf32> to vector<512x1024xf32>
    %add3A_946 = arith.addf %dot_general3A_944, %add3A_945 : vector<512x1024xf32>
    %swap3A_947 = arith.constant 3 : index
    %swap3A_948 = arith.constant 0 : index
    %swap3A_949 = arith.constant 0 : index
    %swap3A_950 = vector.load %arg7[%swap3A_947, %swap3A_948, %swap3A_949] : memref<8x512x1024xf32, #tpu.memory_space<vmem>>, vector<1x512x1024xf32>
    %swap3A_951 = vector.shape_cast %swap3A_950 : vector<1x512x1024xf32> to vector<512x1024xf32>
    %swap3A_952 = vector.shape_cast %add3A_946 : vector<512x1024xf32> to vector<1x512x1024xf32>
    tpu.vector_store %arg7[%swap3A_947, %swap3A_948, %swap3A_949], %swap3A_952 {strides = array<i32>} : memref<8x512x1024xf32, #tpu.memory_space<vmem>>, vector<1x512x1024xf32>,
    %dma_start3A_953 = arith.constant 3 : i32
    %dma_start3A_954 = arith.constant 3 : i32
    %dma_start3A_955 = tpu.memref_slice %arg9[%dma_start3A_954] : memref<8x!tpu.dma_semaphore, #tpu.memory_space<semaphore_mem>> -> memref<1x!tpu.dma_semaphore, #tpu.memory_space<semaphore_mem>>
    %dma_start3A_956 = tpu.memref_squeeze %dma_start3A_955 : memref<1x!tpu.dma_semaphore, #tpu.memory_space<semaphore_mem>> -> memref<!tpu.dma_semaphore, #tpu.memory_space<semaphore_mem>>
    %dma_start3A_957 = arith.constant 5632 : i32
    %dma_start3A_958 = arith.constant 0 : i32
    %dma_start3A_959 = tpu.memref_slice %arg5[%dma_start3A_957, %dma_start3A_958] : memref<8192x1024xf32, #tpu.memory_space<any>> -> memref<512x1024xf32, #tpu.memory_space<any>>
    %dma_start3A_960 = arith.constant 0 : i32
    %dma_start3A_961 = arith.constant 0 : i32
    %dma_start3A_962 = tpu.memref_slice %arg7[%dma_start3A_953, %dma_start3A_960, %dma_start3A_961] : memref<8x512x1024xf32, #tpu.memory_space<vmem>> -> memref<1x512x1024xf32, #tpu.memory_space<vmem>>
    %dma_start3A_963 = tpu.memref_squeeze %dma_start3A_962 : memref<1x512x1024xf32, #tpu.memory_space<vmem>> -> memref<512x1024xf32, #tpu.memory_space<vmem>>
    tpu.enqueue_dma source(%dma_start3A_963 : memref<512x1024xf32, #tpu.memory_space<vmem>>) target(%dma_start3A_959 : memref<512x1024xf32, #tpu.memory_space<any>>) target_semaphore(%dma_start3A_956 : memref<!tpu.dma_semaphore, #tpu.memory_space<semaphore_mem>>)
    %dma_wait3A_964 = arith.constant 4 : i32
    %dma_wait3A_965 = arith.constant 4 : i32
    %dma_wait3A_966 = tpu.memref_slice %arg8[%dma_wait3A_965] : memref<8x!tpu.dma_semaphore, #tpu.memory_space<semaphore_mem>> -> memref<1x!tpu.dma_semaphore, #tpu.memory_space<semaphore_mem>>
    %dma_wait3A_967 = tpu.memref_squeeze %dma_wait3A_966 : memref<1x!tpu.dma_semaphore, #tpu.memory_space<semaphore_mem>> -> memref<!tpu.dma_semaphore, #tpu.memory_space<semaphore_mem>>
    %dma_wait3A_968 = arith.constant 0 : i32
    %dma_wait3A_969 = arith.constant 0 : i32
    %dma_wait3A_970 = tpu.memref_slice %arg6[%dma_wait3A_964, %dma_wait3A_968, %dma_wait3A_969] : memref<8x512x128xf32, #tpu.memory_space<vmem>> -> memref<1x512x128xf32, #tpu.memory_space<vmem>>
    %dma_wait3A_971 = tpu.memref_squeeze %dma_wait3A_970 : memref<1x512x128xf32, #tpu.memory_space<vmem>> -> memref<512x128xf32, #tpu.memory_space<vmem>>
    %dma_wait3A_972 = arith.constant 6144 : i32
    %dma_wait3A_973 = arith.constant 0 : i32
    %dma_wait3A_974 = tpu.memref_slice %arg0[%dma_wait3A_972, %dma_wait3A_973] : memref<8192x128xf32, #tpu.memory_space<any>> -> memref<512x128xf32, #tpu.memory_space<any>>
    tpu.wait_dma2 semaphore(%dma_wait3A_967 : memref<!tpu.dma_semaphore, #tpu.memory_space<semaphore_mem>>) src(%dma_wait3A_974 : memref<512x128xf32, #tpu.memory_space<any>>) dst(%dma_wait3A_971 : memref<512x128xf32, #tpu.memory_space<vmem>>)
    %get3A_975 = arith.constant 4 : index
    %get3A_976 = arith.constant 0 : index
    %get3A_977 = arith.constant 0 : index
    %get3A_978 = vector.load %arg6[%get3A_975, %get3A_976, %get3A_977] : memref<8x512x128xf32, #tpu.memory_space<vmem>>, vector<1x512x128xf32>
    %get3A_979 = vector.shape_cast %get3A_978 : vector<1x512x128xf32> to vector<512x128xf32>
    %reduce_sum3A_980 = arith.constant dense<0.000000e+00> : vector<512xf32>
    %reduce_sum3A_981 = vector.multi_reduction <add>, %get3A_979, %reduce_sum3A_980 [1] : vector<512x128xf32> to vector<512xf32>
    %broadcast_in_dim3A_982 = vector.shape_cast %reduce_sum3A_981 : vector<512xf32> to vector<512x1xf32>
    %div3A_983 = arith.constant 1.280000e+02 : f32
    %div3A_984 = vector.broadcast %div3A_983 : f32 to vector<512x1xf32>
    %div3A_985 = arith.divf %broadcast_in_dim3A_982, %div3A_984 : vector<512x1xf32>
    %sub3A_986 = vector.broadcast %div3A_985 : vector<512x1xf32> to vector<512x128xf32>
    %sub3A_987 = arith.subf %get3A_979, %sub3A_986 : vector<512x128xf32>
    %mul3A_988 = arith.mulf %sub3A_987, %sub3A_987 : vector<512x128xf32>
    %reduce_sum3A_989 = arith.constant dense<0.000000e+00> : vector<512xf32>
    %reduce_sum3A_990 = vector.multi_reduction <add>, %mul3A_988, %reduce_sum3A_989 [1] : vector<512x128xf32> to vector<512xf32>
    %broadcast_in_dim3A_991 = vector.shape_cast %reduce_sum3A_990 : vector<512xf32> to vector<512x1xf32>
    %div3A_992 = arith.constant 1.280000e+02 : f32
    %div3A_993 = vector.broadcast %div3A_992 : f32 to vector<512x1xf32>
    %div3A_994 = arith.divf %broadcast_in_dim3A_991, %div3A_993 : vector<512x1xf32>
    %add3A_995 = arith.constant 9.99999996E-13 : f32
    %add3A_996 = vector.broadcast %add3A_995 : f32 to vector<512x1xf32>
    %add3A_997 = arith.addf %div3A_994, %add3A_996 : vector<512x1xf32>
    %rsqrt3A_998 = math.rsqrt %add3A_997 : vector<512x1xf32>
    %mul3A_999 = vector.broadcast %rsqrt3A_998 : vector<512x1xf32> to vector<512x128xf32>
    %mul3A_1000 = arith.mulf %sub3A_987, %mul3A_999 : vector<512x128xf32>
    %mul3A_1001 = vector.broadcast %broadcast_in_dim3A : vector<1x128xf32> to vector<512x128xf32>
    %mul3A_1002 = arith.mulf %mul3A_1000, %mul3A_1001 : vector<512x128xf32>
    %add3A_1003 = vector.broadcast %broadcast_in_dim3A_90 : vector<1x128xf32> to vector<512x128xf32>
    %add3A_1004 = arith.addf %mul3A_1002, %add3A_1003 : vector<512x128xf32>
    %dma_wait3A_1005 = arith.constant 4 : i32
    %dma_wait3A_1006 = arith.constant 4 : i32
    %dma_wait3A_1007 = tpu.memref_slice %arg9[%dma_wait3A_1006] : memref<8x!tpu.dma_semaphore, #tpu.memory_space<semaphore_mem>> -> memref<1x!tpu.dma_semaphore, #tpu.memory_space<semaphore_mem>>
    %dma_wait3A_1008 = tpu.memref_squeeze %dma_wait3A_1007 : memref<1x!tpu.dma_semaphore, #tpu.memory_space<semaphore_mem>> -> memref<!tpu.dma_semaphore, #tpu.memory_space<semaphore_mem>>
    %dma_wait3A_1009 = arith.constant 2048 : i32
    %dma_wait3A_1010 = arith.constant 0 : i32
    %dma_wait3A_1011 = tpu.memref_slice %arg5[%dma_wait3A_1009, %dma_wait3A_1010] : memref<8192x1024xf32, #tpu.memory_space<any>> -> memref<512x1024xf32, #tpu.memory_space<any>>
    %dma_wait3A_1012 = arith.constant 0 : i32
    %dma_wait3A_1013 = arith.constant 0 : i32
    %dma_wait3A_1014 = tpu.memref_slice %arg7[%dma_wait3A_1005, %dma_wait3A_1012, %dma_wait3A_1013] : memref<8x512x1024xf32, #tpu.memory_space<vmem>> -> memref<1x512x1024xf32, #tpu.memory_space<vmem>>
    %dma_wait3A_1015 = tpu.memref_squeeze %dma_wait3A_1014 : memref<1x512x1024xf32, #tpu.memory_space<vmem>> -> memref<512x1024xf32, #tpu.memory_space<vmem>>
    tpu.wait_dma2 semaphore(%dma_wait3A_1008 : memref<!tpu.dma_semaphore, #tpu.memory_space<semaphore_mem>>) src(%dma_wait3A_1015 : memref<512x1024xf32, #tpu.memory_space<vmem>>) dst(%dma_wait3A_1011 : memref<512x1024xf32, #tpu.memory_space<any>>)
    %dot_general3A_1016 = arith.constant dense<0.000000e+00> : vector<512x1024xf32>
    %dot_general3A_1017 = tpu.matmul %add3A_1004, %get3A_93, %dot_general3A_1016 {dimension_numbers = #tpu.dot_dimension_numbers<[1], [0], [0], [1], [0, 0, 1, 1], [], []>, transpose_lhs_hint = false} : vector<512x128xf32>, vector<128x1024xf32>, vector<512x1024xf32> -> vector<512x1024xf32>
    %add3A_1018 = vector.broadcast %broadcast_in_dim3A_96 : vector<1x1024xf32> to vector<512x1024xf32>
    %add3A_1019 = arith.addf %dot_general3A_1017, %add3A_1018 : vector<512x1024xf32>
    %swap3A_1020 = arith.constant 4 : index
    %swap3A_1021 = arith.constant 0 : index
    %swap3A_1022 = arith.constant 0 : index
    %swap3A_1023 = vector.load %arg7[%swap3A_1020, %swap3A_1021, %swap3A_1022] : memref<8x512x1024xf32, #tpu.memory_space<vmem>>, vector<1x512x1024xf32>
    %swap3A_1024 = vector.shape_cast %swap3A_1023 : vector<1x512x1024xf32> to vector<512x1024xf32>
    %swap3A_1025 = vector.shape_cast %add3A_1019 : vector<512x1024xf32> to vector<1x512x1024xf32>
    tpu.vector_store %arg7[%swap3A_1020, %swap3A_1021, %swap3A_1022], %swap3A_1025 {strides = array<i32>} : memref<8x512x1024xf32, #tpu.memory_space<vmem>>, vector<1x512x1024xf32>,
    %dma_start3A_1026 = arith.constant 4 : i32
    %dma_start3A_1027 = arith.constant 4 : i32
    %dma_start3A_1028 = tpu.memref_slice %arg9[%dma_start3A_1027] : memref<8x!tpu.dma_semaphore, #tpu.memory_space<semaphore_mem>> -> memref<1x!tpu.dma_semaphore, #tpu.memory_space<semaphore_mem>>
    %dma_start3A_1029 = tpu.memref_squeeze %dma_start3A_1028 : memref<1x!tpu.dma_semaphore, #tpu.memory_space<semaphore_mem>> -> memref<!tpu.dma_semaphore, #tpu.memory_space<semaphore_mem>>
    %dma_start3A_1030 = arith.constant 6144 : i32
    %dma_start3A_1031 = arith.constant 0 : i32
    %dma_start3A_1032 = tpu.memref_slice %arg5[%dma_start3A_1030, %dma_start3A_1031] : memref<8192x1024xf32, #tpu.memory_space<any>> -> memref<512x1024xf32, #tpu.memory_space<any>>
    %dma_start3A_1033 = arith.constant 0 : i32
    %dma_start3A_1034 = arith.constant 0 : i32
    %dma_start3A_1035 = tpu.memref_slice %arg7[%dma_start3A_1026, %dma_start3A_1033, %dma_start3A_1034] : memref<8x512x1024xf32, #tpu.memory_space<vmem>> -> memref<1x512x1024xf32, #tpu.memory_space<vmem>>
    %dma_start3A_1036 = tpu.memref_squeeze %dma_start3A_1035 : memref<1x512x1024xf32, #tpu.memory_space<vmem>> -> memref<512x1024xf32, #tpu.memory_space<vmem>>
    tpu.enqueue_dma source(%dma_start3A_1036 : memref<512x1024xf32, #tpu.memory_space<vmem>>) target(%dma_start3A_1032 : memref<512x1024xf32, #tpu.memory_space<any>>) target_semaphore(%dma_start3A_1029 : memref<!tpu.dma_semaphore, #tpu.memory_space<semaphore_mem>>)
    %dma_wait3A_1037 = arith.constant 5 : i32
    %dma_wait3A_1038 = arith.constant 5 : i32
    %dma_wait3A_1039 = tpu.memref_slice %arg8[%dma_wait3A_1038] : memref<8x!tpu.dma_semaphore, #tpu.memory_space<semaphore_mem>> -> memref<1x!tpu.dma_semaphore, #tpu.memory_space<semaphore_mem>>
    %dma_wait3A_1040 = tpu.memref_squeeze %dma_wait3A_1039 : memref<1x!tpu.dma_semaphore, #tpu.memory_space<semaphore_mem>> -> memref<!tpu.dma_semaphore, #tpu.memory_space<semaphore_mem>>
    %dma_wait3A_1041 = arith.constant 0 : i32
    %dma_wait3A_1042 = arith.constant 0 : i32
    %dma_wait3A_1043 = tpu.memref_slice %arg6[%dma_wait3A_1037, %dma_wait3A_1041, %dma_wait3A_1042] : memref<8x512x128xf32, #tpu.memory_space<vmem>> -> memref<1x512x128xf32, #tpu.memory_space<vmem>>
    %dma_wait3A_1044 = tpu.memref_squeeze %dma_wait3A_1043 : memref<1x512x128xf32, #tpu.memory_space<vmem>> -> memref<512x128xf32, #tpu.memory_space<vmem>>
    %dma_wait3A_1045 = arith.constant 6656 : i32
    %dma_wait3A_1046 = arith.constant 0 : i32
    %dma_wait3A_1047 = tpu.memref_slice %arg0[%dma_wait3A_1045, %dma_wait3A_1046] : memref<8192x128xf32, #tpu.memory_space<any>> -> memref<512x128xf32, #tpu.memory_space<any>>
    tpu.wait_dma2 semaphore(%dma_wait3A_1040 : memref<!tpu.dma_semaphore, #tpu.memory_space<semaphore_mem>>) src(%dma_wait3A_1047 : memref<512x128xf32, #tpu.memory_space<any>>) dst(%dma_wait3A_1044 : memref<512x128xf32, #tpu.memory_space<vmem>>)
    %get3A_1048 = arith.constant 5 : index
    %get3A_1049 = arith.constant 0 : index
    %get3A_1050 = arith.constant 0 : index
    %get3A_1051 = vector.load %arg6[%get3A_1048, %get3A_1049, %get3A_1050] : memref<8x512x128xf32, #tpu.memory_space<vmem>>, vector<1x512x128xf32>
    %get3A_1052 = vector.shape_cast %get3A_1051 : vector<1x512x128xf32> to vector<512x128xf32>
    %reduce_sum3A_1053 = arith.constant dense<0.000000e+00> : vector<512xf32>
    %reduce_sum3A_1054 = vector.multi_reduction <add>, %get3A_1052, %reduce_sum3A_1053 [1] : vector<512x128xf32> to vector<512xf32>
    %broadcast_in_dim3A_1055 = vector.shape_cast %reduce_sum3A_1054 : vector<512xf32> to vector<512x1xf32>
    %div3A_1056 = arith.constant 1.280000e+02 : f32
    %div3A_1057 = vector.broadcast %div3A_1056 : f32 to vector<512x1xf32>
    %div3A_1058 = arith.divf %broadcast_in_dim3A_1055, %div3A_1057 : vector<512x1xf32>
    %sub3A_1059 = vector.broadcast %div3A_1058 : vector<512x1xf32> to vector<512x128xf32>
    %sub3A_1060 = arith.subf %get3A_1052, %sub3A_1059 : vector<512x128xf32>
    %mul3A_1061 = arith.mulf %sub3A_1060, %sub3A_1060 : vector<512x128xf32>
    %reduce_sum3A_1062 = arith.constant dense<0.000000e+00> : vector<512xf32>
    %reduce_sum3A_1063 = vector.multi_reduction <add>, %mul3A_1061, %reduce_sum3A_1062 [1] : vector<512x128xf32> to vector<512xf32>
    %broadcast_in_dim3A_1064 = vector.shape_cast %reduce_sum3A_1063 : vector<512xf32> to vector<512x1xf32>
    %div3A_1065 = arith.constant 1.280000e+02 : f32
    %div3A_1066 = vector.broadcast %div3A_1065 : f32 to vector<512x1xf32>
    %div3A_1067 = arith.divf %broadcast_in_dim3A_1064, %div3A_1066 : vector<512x1xf32>
    %add3A_1068 = arith.constant 9.99999996E-13 : f32
    %add3A_1069 = vector.broadcast %add3A_1068 : f32 to vector<512x1xf32>
    %add3A_1070 = arith.addf %div3A_1067, %add3A_1069 : vector<512x1xf32>
    %rsqrt3A_1071 = math.rsqrt %add3A_1070 : vector<512x1xf32>
    %mul3A_1072 = vector.broadcast %rsqrt3A_1071 : vector<512x1xf32> to vector<512x128xf32>
    %mul3A_1073 = arith.mulf %sub3A_1060, %mul3A_1072 : vector<512x128xf32>
    %mul3A_1074 = vector.broadcast %broadcast_in_dim3A : vector<1x128xf32> to vector<512x128xf32>
    %mul3A_1075 = arith.mulf %mul3A_1073, %mul3A_1074 : vector<512x128xf32>
    %add3A_1076 = vector.broadcast %broadcast_in_dim3A_90 : vector<1x128xf32> to vector<512x128xf32>
    %add3A_1077 = arith.addf %mul3A_1075, %add3A_1076 : vector<512x128xf32>
    %dma_wait3A_1078 = arith.constant 5 : i32
    %dma_wait3A_1079 = arith.constant 5 : i32
    %dma_wait3A_1080 = tpu.memref_slice %arg9[%dma_wait3A_1079] : memref<8x!tpu.dma_semaphore, #tpu.memory_space<semaphore_mem>> -> memref<1x!tpu.dma_semaphore, #tpu.memory_space<semaphore_mem>>
    %dma_wait3A_1081 = tpu.memref_squeeze %dma_wait3A_1080 : memref<1x!tpu.dma_semaphore, #tpu.memory_space<semaphore_mem>> -> memref<!tpu.dma_semaphore, #tpu.memory_space<semaphore_mem>>
    %dma_wait3A_1082 = arith.constant 2560 : i32
    %dma_wait3A_1083 = arith.constant 0 : i32
    %dma_wait3A_1084 = tpu.memref_slice %arg5[%dma_wait3A_1082, %dma_wait3A_1083] : memref<8192x1024xf32, #tpu.memory_space<any>> -> memref<512x1024xf32, #tpu.memory_space<any>>
    %dma_wait3A_1085 = arith.constant 0 : i32
    %dma_wait3A_1086 = arith.constant 0 : i32
    %dma_wait3A_1087 = tpu.memref_slice %arg7[%dma_wait3A_1078, %dma_wait3A_1085, %dma_wait3A_1086] : memref<8x512x1024xf32, #tpu.memory_space<vmem>> -> memref<1x512x1024xf32, #tpu.memory_space<vmem>>
    %dma_wait3A_1088 = tpu.memref_squeeze %dma_wait3A_1087 : memref<1x512x1024xf32, #tpu.memory_space<vmem>> -> memref<512x1024xf32, #tpu.memory_space<vmem>>
    tpu.wait_dma2 semaphore(%dma_wait3A_1081 : memref<!tpu.dma_semaphore, #tpu.memory_space<semaphore_mem>>) src(%dma_wait3A_1088 : memref<512x1024xf32, #tpu.memory_space<vmem>>) dst(%dma_wait3A_1084 : memref<512x1024xf32, #tpu.memory_space<any>>)
    %dot_general3A_1089 = arith.constant dense<0.000000e+00> : vector<512x1024xf32>
    %dot_general3A_1090 = tpu.matmul %add3A_1077, %get3A_93, %dot_general3A_1089 {dimension_numbers = #tpu.dot_dimension_numbers<[1], [0], [0], [1], [0, 0, 1, 1], [], []>, transpose_lhs_hint = false} : vector<512x128xf32>, vector<128x1024xf32>, vector<512x1024xf32> -> vector<512x1024xf32>
    %add3A_1091 = vector.broadcast %broadcast_in_dim3A_96 : vector<1x1024xf32> to vector<512x1024xf32>
    %add3A_1092 = arith.addf %dot_general3A_1090, %add3A_1091 : vector<512x1024xf32>
    %swap3A_1093 = arith.constant 5 : index
    %swap3A_1094 = arith.constant 0 : index
    %swap3A_1095 = arith.constant 0 : index
    %swap3A_1096 = vector.load %arg7[%swap3A_1093, %swap3A_1094, %swap3A_1095] : memref<8x512x1024xf32, #tpu.memory_space<vmem>>, vector<1x512x1024xf32>
    %swap3A_1097 = vector.shape_cast %swap3A_1096 : vector<1x512x1024xf32> to vector<512x1024xf32>
    %swap3A_1098 = vector.shape_cast %add3A_1092 : vector<512x1024xf32> to vector<1x512x1024xf32>
    tpu.vector_store %arg7[%swap3A_1093, %swap3A_1094, %swap3A_1095], %swap3A_1098 {strides = array<i32>} : memref<8x512x1024xf32, #tpu.memory_space<vmem>>, vector<1x512x1024xf32>,
    %dma_start3A_1099 = arith.constant 5 : i32
    %dma_start3A_1100 = arith.constant 5 : i32
    %dma_start3A_1101 = tpu.memref_slice %arg9[%dma_start3A_1100] : memref<8x!tpu.dma_semaphore, #tpu.memory_space<semaphore_mem>> -> memref<1x!tpu.dma_semaphore, #tpu.memory_space<semaphore_mem>>
    %dma_start3A_1102 = tpu.memref_squeeze %dma_start3A_1101 : memref<1x!tpu.dma_semaphore, #tpu.memory_space<semaphore_mem>> -> memref<!tpu.dma_semaphore, #tpu.memory_space<semaphore_mem>>
    %dma_start3A_1103 = arith.constant 6656 : i32
    %dma_start3A_1104 = arith.constant 0 : i32
    %dma_start3A_1105 = tpu.memref_slice %arg5[%dma_start3A_1103, %dma_start3A_1104] : memref<8192x1024xf32, #tpu.memory_space<any>> -> memref<512x1024xf32, #tpu.memory_space<any>>
    %dma_start3A_1106 = arith.constant 0 : i32
    %dma_start3A_1107 = arith.constant 0 : i32
    %dma_start3A_1108 = tpu.memref_slice %arg7[%dma_start3A_1099, %dma_start3A_1106, %dma_start3A_1107] : memref<8x512x1024xf32, #tpu.memory_space<vmem>> -> memref<1x512x1024xf32, #tpu.memory_space<vmem>>
    %dma_start3A_1109 = tpu.memref_squeeze %dma_start3A_1108 : memref<1x512x1024xf32, #tpu.memory_space<vmem>> -> memref<512x1024xf32, #tpu.memory_space<vmem>>
    tpu.enqueue_dma source(%dma_start3A_1109 : memref<512x1024xf32, #tpu.memory_space<vmem>>) target(%dma_start3A_1105 : memref<512x1024xf32, #tpu.memory_space<any>>) target_semaphore(%dma_start3A_1102 : memref<!tpu.dma_semaphore, #tpu.memory_space<semaphore_mem>>)
    %dma_wait3A_1110 = arith.constant 6 : i32
    %dma_wait3A_1111 = arith.constant 6 : i32
    %dma_wait3A_1112 = tpu.memref_slice %arg8[%dma_wait3A_1111] : memref<8x!tpu.dma_semaphore, #tpu.memory_space<semaphore_mem>> -> memref<1x!tpu.dma_semaphore, #tpu.memory_space<semaphore_mem>>
    %dma_wait3A_1113 = tpu.memref_squeeze %dma_wait3A_1112 : memref<1x!tpu.dma_semaphore, #tpu.memory_space<semaphore_mem>> -> memref<!tpu.dma_semaphore, #tpu.memory_space<semaphore_mem>>
    %dma_wait3A_1114 = arith.constant 0 : i32
    %dma_wait3A_1115 = arith.constant 0 : i32
    %dma_wait3A_1116 = tpu.memref_slice %arg6[%dma_wait3A_1110, %dma_wait3A_1114, %dma_wait3A_1115] : memref<8x512x128xf32, #tpu.memory_space<vmem>> -> memref<1x512x128xf32, #tpu.memory_space<vmem>>
    %dma_wait3A_1117 = tpu.memref_squeeze %dma_wait3A_1116 : memref<1x512x128xf32, #tpu.memory_space<vmem>> -> memref<512x128xf32, #tpu.memory_space<vmem>>
    %dma_wait3A_1118 = arith.constant 7168 : i32
    %dma_wait3A_1119 = arith.constant 0 : i32
    %dma_wait3A_1120 = tpu.memref_slice %arg0[%dma_wait3A_1118, %dma_wait3A_1119] : memref<8192x128xf32, #tpu.memory_space<any>> -> memref<512x128xf32, #tpu.memory_space<any>>
    tpu.wait_dma2 semaphore(%dma_wait3A_1113 : memref<!tpu.dma_semaphore, #tpu.memory_space<semaphore_mem>>) src(%dma_wait3A_1120 : memref<512x128xf32, #tpu.memory_space<any>>) dst(%dma_wait3A_1117 : memref<512x128xf32, #tpu.memory_space<vmem>>)
    %get3A_1121 = arith.constant 6 : index
    %get3A_1122 = arith.constant 0 : index
    %get3A_1123 = arith.constant 0 : index
    %get3A_1124 = vector.load %arg6[%get3A_1121, %get3A_1122, %get3A_1123] : memref<8x512x128xf32, #tpu.memory_space<vmem>>, vector<1x512x128xf32>
    %get3A_1125 = vector.shape_cast %get3A_1124 : vector<1x512x128xf32> to vector<512x128xf32>
    %reduce_sum3A_1126 = arith.constant dense<0.000000e+00> : vector<512xf32>
    %reduce_sum3A_1127 = vector.multi_reduction <add>, %get3A_1125, %reduce_sum3A_1126 [1] : vector<512x128xf32> to vector<512xf32>
    %broadcast_in_dim3A_1128 = vector.shape_cast %reduce_sum3A_1127 : vector<512xf32> to vector<512x1xf32>
    %div3A_1129 = arith.constant 1.280000e+02 : f32
    %div3A_1130 = vector.broadcast %div3A_1129 : f32 to vector<512x1xf32>
    %div3A_1131 = arith.divf %broadcast_in_dim3A_1128, %div3A_1130 : vector<512x1xf32>
    %sub3A_1132 = vector.broadcast %div3A_1131 : vector<512x1xf32> to vector<512x128xf32>
    %sub3A_1133 = arith.subf %get3A_1125, %sub3A_1132 : vector<512x128xf32>
    %mul3A_1134 = arith.mulf %sub3A_1133, %sub3A_1133 : vector<512x128xf32>
    %reduce_sum3A_1135 = arith.constant dense<0.000000e+00> : vector<512xf32>
    %reduce_sum3A_1136 = vector.multi_reduction <add>, %mul3A_1134, %reduce_sum3A_1135 [1] : vector<512x128xf32> to vector<512xf32>
    %broadcast_in_dim3A_1137 = vector.shape_cast %reduce_sum3A_1136 : vector<512xf32> to vector<512x1xf32>
    %div3A_1138 = arith.constant 1.280000e+02 : f32
    %div3A_1139 = vector.broadcast %div3A_1138 : f32 to vector<512x1xf32>
    %div3A_1140 = arith.divf %broadcast_in_dim3A_1137, %div3A_1139 : vector<512x1xf32>
    %add3A_1141 = arith.constant 9.99999996E-13 : f32
    %add3A_1142 = vector.broadcast %add3A_1141 : f32 to vector<512x1xf32>
    %add3A_1143 = arith.addf %div3A_1140, %add3A_1142 : vector<512x1xf32>
    %rsqrt3A_1144 = math.rsqrt %add3A_1143 : vector<512x1xf32>
    %mul3A_1145 = vector.broadcast %rsqrt3A_1144 : vector<512x1xf32> to vector<512x128xf32>
    %mul3A_1146 = arith.mulf %sub3A_1133, %mul3A_1145 : vector<512x128xf32>
    %mul3A_1147 = vector.broadcast %broadcast_in_dim3A : vector<1x128xf32> to vector<512x128xf32>
    %mul3A_1148 = arith.mulf %mul3A_1146, %mul3A_1147 : vector<512x128xf32>
    %add3A_1149 = vector.broadcast %broadcast_in_dim3A_90 : vector<1x128xf32> to vector<512x128xf32>
    %add3A_1150 = arith.addf %mul3A_1148, %add3A_1149 : vector<512x128xf32>
    %dma_wait3A_1151 = arith.constant 6 : i32
    %dma_wait3A_1152 = arith.constant 6 : i32
    %dma_wait3A_1153 = tpu.memref_slice %arg9[%dma_wait3A_1152] : memref<8x!tpu.dma_semaphore, #tpu.memory_space<semaphore_mem>> -> memref<1x!tpu.dma_semaphore, #tpu.memory_space<semaphore_mem>>
    %dma_wait3A_1154 = tpu.memref_squeeze %dma_wait3A_1153 : memref<1x!tpu.dma_semaphore, #tpu.memory_space<semaphore_mem>> -> memref<!tpu.dma_semaphore, #tpu.memory_space<semaphore_mem>>
    %dma_wait3A_1155 = arith.constant 3072 : i32
    %dma_wait3A_1156 = arith.constant 0 : i32
    %dma_wait3A_1157 = tpu.memref_slice %arg5[%dma_wait3A_1155, %dma_wait3A_1156] : memref<8192x1024xf32, #tpu.memory_space<any>> -> memref<512x1024xf32, #tpu.memory_space<any>>
    %dma_wait3A_1158 = arith.constant 0 : i32
    %dma_wait3A_1159 = arith.constant 0 : i32
    %dma_wait3A_1160 = tpu.memref_slice %arg7[%dma_wait3A_1151, %dma_wait3A_1158, %dma_wait3A_1159] : memref<8x512x1024xf32, #tpu.memory_space<vmem>> -> memref<1x512x1024xf32, #tpu.memory_space<vmem>>
    %dma_wait3A_1161 = tpu.memref_squeeze %dma_wait3A_1160 : memref<1x512x1024xf32, #tpu.memory_space<vmem>> -> memref<512x1024xf32, #tpu.memory_space<vmem>>
    tpu.wait_dma2 semaphore(%dma_wait3A_1154 : memref<!tpu.dma_semaphore, #tpu.memory_space<semaphore_mem>>) src(%dma_wait3A_1161 : memref<512x1024xf32, #tpu.memory_space<vmem>>) dst(%dma_wait3A_1157 : memref<512x1024xf32, #tpu.memory_space<any>>)
    %dot_general3A_1162 = arith.constant dense<0.000000e+00> : vector<512x1024xf32>
    %dot_general3A_1163 = tpu.matmul %add3A_1150, %get3A_93, %dot_general3A_1162 {dimension_numbers = #tpu.dot_dimension_numbers<[1], [0], [0], [1], [0, 0, 1, 1], [], []>, transpose_lhs_hint = false} : vector<512x128xf32>, vector<128x1024xf32>, vector<512x1024xf32> -> vector<512x1024xf32>
    %add3A_1164 = vector.broadcast %broadcast_in_dim3A_96 : vector<1x1024xf32> to vector<512x1024xf32>
    %add3A_1165 = arith.addf %dot_general3A_1163, %add3A_1164 : vector<512x1024xf32>
    %swap3A_1166 = arith.constant 6 : index
    %swap3A_1167 = arith.constant 0 : index
    %swap3A_1168 = arith.constant 0 : index
    %swap3A_1169 = vector.load %arg7[%swap3A_1166, %swap3A_1167, %swap3A_1168] : memref<8x512x1024xf32, #tpu.memory_space<vmem>>, vector<1x512x1024xf32>
    %swap3A_1170 = vector.shape_cast %swap3A_1169 : vector<1x512x1024xf32> to vector<512x1024xf32>
    %swap3A_1171 = vector.shape_cast %add3A_1165 : vector<512x1024xf32> to vector<1x512x1024xf32>
    tpu.vector_store %arg7[%swap3A_1166, %swap3A_1167, %swap3A_1168], %swap3A_1171 {strides = array<i32>} : memref<8x512x1024xf32, #tpu.memory_space<vmem>>, vector<1x512x1024xf32>,
    %dma_start3A_1172 = arith.constant 6 : i32
    %dma_start3A_1173 = arith.constant 6 : i32
    %dma_start3A_1174 = tpu.memref_slice %arg9[%dma_start3A_1173] : memref<8x!tpu.dma_semaphore, #tpu.memory_space<semaphore_mem>> -> memref<1x!tpu.dma_semaphore, #tpu.memory_space<semaphore_mem>>
    %dma_start3A_1175 = tpu.memref_squeeze %dma_start3A_1174 : memref<1x!tpu.dma_semaphore, #tpu.memory_space<semaphore_mem>> -> memref<!tpu.dma_semaphore, #tpu.memory_space<semaphore_mem>>
    %dma_start3A_1176 = arith.constant 7168 : i32
    %dma_start3A_1177 = arith.constant 0 : i32
    %dma_start3A_1178 = tpu.memref_slice %arg5[%dma_start3A_1176, %dma_start3A_1177] : memref<8192x1024xf32, #tpu.memory_space<any>> -> memref<512x1024xf32, #tpu.memory_space<any>>
    %dma_start3A_1179 = arith.constant 0 : i32
    %dma_start3A_1180 = arith.constant 0 : i32
    %dma_start3A_1181 = tpu.memref_slice %arg7[%dma_start3A_1172, %dma_start3A_1179, %dma_start3A_1180] : memref<8x512x1024xf32, #tpu.memory_space<vmem>> -> memref<1x512x1024xf32, #tpu.memory_space<vmem>>
    %dma_start3A_1182 = tpu.memref_squeeze %dma_start3A_1181 : memref<1x512x1024xf32, #tpu.memory_space<vmem>> -> memref<512x1024xf32, #tpu.memory_space<vmem>>
    tpu.enqueue_dma source(%dma_start3A_1182 : memref<512x1024xf32, #tpu.memory_space<vmem>>) target(%dma_start3A_1178 : memref<512x1024xf32, #tpu.memory_space<any>>) target_semaphore(%dma_start3A_1175 : memref<!tpu.dma_semaphore, #tpu.memory_space<semaphore_mem>>)
    %dma_wait3A_1183 = arith.constant 7 : i32
    %dma_wait3A_1184 = arith.constant 7 : i32
    %dma_wait3A_1185 = tpu.memref_slice %arg8[%dma_wait3A_1184] : memref<8x!tpu.dma_semaphore, #tpu.memory_space<semaphore_mem>> -> memref<1x!tpu.dma_semaphore, #tpu.memory_space<semaphore_mem>>
    %dma_wait3A_1186 = tpu.memref_squeeze %dma_wait3A_1185 : memref<1x!tpu.dma_semaphore, #tpu.memory_space<semaphore_mem>> -> memref<!tpu.dma_semaphore, #tpu.memory_space<semaphore_mem>>
    %dma_wait3A_1187 = arith.constant 0 : i32
    %dma_wait3A_1188 = arith.constant 0 : i32
    %dma_wait3A_1189 = tpu.memref_slice %arg6[%dma_wait3A_1183, %dma_wait3A_1187, %dma_wait3A_1188] : memref<8x512x128xf32, #tpu.memory_space<vmem>> -> memref<1x512x128xf32, #tpu.memory_space<vmem>>
    %dma_wait3A_1190 = tpu.memref_squeeze %dma_wait3A_1189 : memref<1x512x128xf32, #tpu.memory_space<vmem>> -> memref<512x128xf32, #tpu.memory_space<vmem>>
    %dma_wait3A_1191 = arith.constant 7680 : i32
    %dma_wait3A_1192 = arith.constant 0 : i32
    %dma_wait3A_1193 = tpu.memref_slice %arg0[%dma_wait3A_1191, %dma_wait3A_1192] : memref<8192x128xf32, #tpu.memory_space<any>> -> memref<512x128xf32, #tpu.memory_space<any>>
    tpu.wait_dma2 semaphore(%dma_wait3A_1186 : memref<!tpu.dma_semaphore, #tpu.memory_space<semaphore_mem>>) src(%dma_wait3A_1193 : memref<512x128xf32, #tpu.memory_space<any>>) dst(%dma_wait3A_1190 : memref<512x128xf32, #tpu.memory_space<vmem>>)
    %get3A_1194 = arith.constant 7 : index
    %get3A_1195 = arith.constant 0 : index
    %get3A_1196 = arith.constant 0 : index
    %get3A_1197 = vector.load %arg6[%get3A_1194, %get3A_1195, %get3A_1196] : memref<8x512x128xf32, #tpu.memory_space<vmem>>, vector<1x512x128xf32>
    %get3A_1198 = vector.shape_cast %get3A_1197 : vector<1x512x128xf32> to vector<512x128xf32>
    %reduce_sum3A_1199 = arith.constant dense<0.000000e+00> : vector<512xf32>
    %reduce_sum3A_1200 = vector.multi_reduction <add>, %get3A_1198, %reduce_sum3A_1199 [1] : vector<512x128xf32> to vector<512xf32>
    %broadcast_in_dim3A_1201 = vector.shape_cast %reduce_sum3A_1200 : vector<512xf32> to vector<512x1xf32>
    %div3A_1202 = arith.constant 1.280000e+02 : f32
    %div3A_1203 = vector.broadcast %div3A_1202 : f32 to vector<512x1xf32>
    %div3A_1204 = arith.divf %broadcast_in_dim3A_1201, %div3A_1203 : vector<512x1xf32>
    %sub3A_1205 = vector.broadcast %div3A_1204 : vector<512x1xf32> to vector<512x128xf32>
    %sub3A_1206 = arith.subf %get3A_1198, %sub3A_1205 : vector<512x128xf32>
    %mul3A_1207 = arith.mulf %sub3A_1206, %sub3A_1206 : vector<512x128xf32>
    %reduce_sum3A_1208 = arith.constant dense<0.000000e+00> : vector<512xf32>
    %reduce_sum3A_1209 = vector.multi_reduction <add>, %mul3A_1207, %reduce_sum3A_1208 [1] : vector<512x128xf32> to vector<512xf32>
    %broadcast_in_dim3A_1210 = vector.shape_cast %reduce_sum3A_1209 : vector<512xf32> to vector<512x1xf32>
    %div3A_1211 = arith.constant 1.280000e+02 : f32
    %div3A_1212 = vector.broadcast %div3A_1211 : f32 to vector<512x1xf32>
    %div3A_1213 = arith.divf %broadcast_in_dim3A_1210, %div3A_1212 : vector<512x1xf32>
    %add3A_1214 = arith.constant 9.99999996E-13 : f32
    %add3A_1215 = vector.broadcast %add3A_1214 : f32 to vector<512x1xf32>
    %add3A_1216 = arith.addf %div3A_1213, %add3A_1215 : vector<512x1xf32>
    %rsqrt3A_1217 = math.rsqrt %add3A_1216 : vector<512x1xf32>
    %mul3A_1218 = vector.broadcast %rsqrt3A_1217 : vector<512x1xf32> to vector<512x128xf32>
    %mul3A_1219 = arith.mulf %sub3A_1206, %mul3A_1218 : vector<512x128xf32>
    %mul3A_1220 = vector.broadcast %broadcast_in_dim3A : vector<1x128xf32> to vector<512x128xf32>
    %mul3A_1221 = arith.mulf %mul3A_1219, %mul3A_1220 : vector<512x128xf32>
    %add3A_1222 = vector.broadcast %broadcast_in_dim3A_90 : vector<1x128xf32> to vector<512x128xf32>
    %add3A_1223 = arith.addf %mul3A_1221, %add3A_1222 : vector<512x128xf32>
    %dma_wait3A_1224 = arith.constant 7 : i32
    %dma_wait3A_1225 = arith.constant 7 : i32
    %dma_wait3A_1226 = tpu.memref_slice %arg9[%dma_wait3A_1225] : memref<8x!tpu.dma_semaphore, #tpu.memory_space<semaphore_mem>> -> memref<1x!tpu.dma_semaphore, #tpu.memory_space<semaphore_mem>>
    %dma_wait3A_1227 = tpu.memref_squeeze %dma_wait3A_1226 : memref<1x!tpu.dma_semaphore, #tpu.memory_space<semaphore_mem>> -> memref<!tpu.dma_semaphore, #tpu.memory_space<semaphore_mem>>
    %dma_wait3A_1228 = arith.constant 3584 : i32
    %dma_wait3A_1229 = arith.constant 0 : i32
    %dma_wait3A_1230 = tpu.memref_slice %arg5[%dma_wait3A_1228, %dma_wait3A_1229] : memref<8192x1024xf32, #tpu.memory_space<any>> -> memref<512x1024xf32, #tpu.memory_space<any>>
    %dma_wait3A_1231 = arith.constant 0 : i32
    %dma_wait3A_1232 = arith.constant 0 : i32
    %dma_wait3A_1233 = tpu.memref_slice %arg7[%dma_wait3A_1224, %dma_wait3A_1231, %dma_wait3A_1232] : memref<8x512x1024xf32, #tpu.memory_space<vmem>> -> memref<1x512x1024xf32, #tpu.memory_space<vmem>>
    %dma_wait3A_1234 = tpu.memref_squeeze %dma_wait3A_1233 : memref<1x512x1024xf32, #tpu.memory_space<vmem>> -> memref<512x1024xf32, #tpu.memory_space<vmem>>
    tpu.wait_dma2 semaphore(%dma_wait3A_1227 : memref<!tpu.dma_semaphore, #tpu.memory_space<semaphore_mem>>) src(%dma_wait3A_1234 : memref<512x1024xf32, #tpu.memory_space<vmem>>) dst(%dma_wait3A_1230 : memref<512x1024xf32, #tpu.memory_space<any>>)
    %dot_general3A_1235 = arith.constant dense<0.000000e+00> : vector<512x1024xf32>
    %dot_general3A_1236 = tpu.matmul %add3A_1223, %get3A_93, %dot_general3A_1235 {dimension_numbers = #tpu.dot_dimension_numbers<[1], [0], [0], [1], [0, 0, 1, 1], [], []>, transpose_lhs_hint = false} : vector<512x128xf32>, vector<128x1024xf32>, vector<512x1024xf32> -> vector<512x1024xf32>
    %add3A_1237 = vector.broadcast %broadcast_in_dim3A_96 : vector<1x1024xf32> to vector<512x1024xf32>
    %add3A_1238 = arith.addf %dot_general3A_1236, %add3A_1237 : vector<512x1024xf32>
    %swap3A_1239 = arith.constant 7 : index
    %swap3A_1240 = arith.constant 0 : index
    %swap3A_1241 = arith.constant 0 : index
    %swap3A_1242 = vector.load %arg7[%swap3A_1239, %swap3A_1240, %swap3A_1241] : memref<8x512x1024xf32, #tpu.memory_space<vmem>>, vector<1x512x1024xf32>
    %swap3A_1243 = vector.shape_cast %swap3A_1242 : vector<1x512x1024xf32> to vector<512x1024xf32>
    %swap3A_1244 = vector.shape_cast %add3A_1238 : vector<512x1024xf32> to vector<1x512x1024xf32>
    tpu.vector_store %arg7[%swap3A_1239, %swap3A_1240, %swap3A_1241], %swap3A_1244 {strides = array<i32>} : memref<8x512x1024xf32, #tpu.memory_space<vmem>>, vector<1x512x1024xf32>,
    %dma_start3A_1245 = arith.constant 7 : i32
    %dma_start3A_1246 = arith.constant 7 : i32
    %dma_start3A_1247 = tpu.memref_slice %arg9[%dma_start3A_1246] : memref<8x!tpu.dma_semaphore, #tpu.memory_space<semaphore_mem>> -> memref<1x!tpu.dma_semaphore, #tpu.memory_space<semaphore_mem>>
    %dma_start3A_1248 = tpu.memref_squeeze %dma_start3A_1247 : memref<1x!tpu.dma_semaphore, #tpu.memory_space<semaphore_mem>> -> memref<!tpu.dma_semaphore, #tpu.memory_space<semaphore_mem>>
    %dma_start3A_1249 = arith.constant 7680 : i32
    %dma_start3A_1250 = arith.constant 0 : i32
    %dma_start3A_1251 = tpu.memref_slice %arg5[%dma_start3A_1249, %dma_start3A_1250] : memref<8192x1024xf32, #tpu.memory_space<any>> -> memref<512x1024xf32, #tpu.memory_space<any>>
    %dma_start3A_1252 = arith.constant 0 : i32
    %dma_start3A_1253 = arith.constant 0 : i32
    %dma_start3A_1254 = tpu.memref_slice %arg7[%dma_start3A_1245, %dma_start3A_1252, %dma_start3A_1253] : memref<8x512x1024xf32, #tpu.memory_space<vmem>> -> memref<1x512x1024xf32, #tpu.memory_space<vmem>>
    %dma_start3A_1255 = tpu.memref_squeeze %dma_start3A_1254 : memref<1x512x1024xf32, #tpu.memory_space<vmem>> -> memref<512x1024xf32, #tpu.memory_space<vmem>>
    tpu.enqueue_dma source(%dma_start3A_1255 : memref<512x1024xf32, #tpu.memory_space<vmem>>) target(%dma_start3A_1251 : memref<512x1024xf32, #tpu.memory_space<any>>) target_semaphore(%dma_start3A_1248 : memref<!tpu.dma_semaphore, #tpu.memory_space<semaphore_mem>>)
    %dma_wait3A_1256 = arith.constant 0 : i32
    %dma_wait3A_1257 = arith.constant 0 : i32
    %dma_wait3A_1258 = tpu.memref_slice %arg9[%dma_wait3A_1257] : memref<8x!tpu.dma_semaphore, #tpu.memory_space<semaphore_mem>> -> memref<1x!tpu.dma_semaphore, #tpu.memory_space<semaphore_mem>>
    %dma_wait3A_1259 = tpu.memref_squeeze %dma_wait3A_1258 : memref<1x!tpu.dma_semaphore, #tpu.memory_space<semaphore_mem>> -> memref<!tpu.dma_semaphore, #tpu.memory_space<semaphore_mem>>
    %dma_wait3A_1260 = arith.constant 4096 : i32
    %dma_wait3A_1261 = arith.constant 0 : i32
    %dma_wait3A_1262 = tpu.memref_slice %arg5[%dma_wait3A_1260, %dma_wait3A_1261] : memref<8192x1024xf32, #tpu.memory_space<any>> -> memref<512x1024xf32, #tpu.memory_space<any>>
    %dma_wait3A_1263 = arith.constant 0 : i32
    %dma_wait3A_1264 = arith.constant 0 : i32
    %dma_wait3A_1265 = tpu.memref_slice %arg7[%dma_wait3A_1256, %dma_wait3A_1263, %dma_wait3A_1264] : memref<8x512x1024xf32, #tpu.memory_space<vmem>> -> memref<1x512x1024xf32, #tpu.memory_space<vmem>>
    %dma_wait3A_1266 = tpu.memref_squeeze %dma_wait3A_1265 : memref<1x512x1024xf32, #tpu.memory_space<vmem>> -> memref<512x1024xf32, #tpu.memory_space<vmem>>
    tpu.wait_dma2 semaphore(%dma_wait3A_1259 : memref<!tpu.dma_semaphore, #tpu.memory_space<semaphore_mem>>) src(%dma_wait3A_1266 : memref<512x1024xf32, #tpu.memory_space<vmem>>) dst(%dma_wait3A_1262 : memref<512x1024xf32, #tpu.memory_space<any>>)
    %dma_wait3A_1267 = arith.constant 1 : i32
    %dma_wait3A_1268 = arith.constant 1 : i32
    %dma_wait3A_1269 = tpu.memref_slice %arg9[%dma_wait3A_1268] : memref<8x!tpu.dma_semaphore, #tpu.memory_space<semaphore_mem>> -> memref<1x!tpu.dma_semaphore, #tpu.memory_space<semaphore_mem>>
    %dma_wait3A_1270 = tpu.memref_squeeze %dma_wait3A_1269 : memref<1x!tpu.dma_semaphore, #tpu.memory_space<semaphore_mem>> -> memref<!tpu.dma_semaphore, #tpu.memory_space<semaphore_mem>>
    %dma_wait3A_1271 = arith.constant 4608 : i32
    %dma_wait3A_1272 = arith.constant 0 : i32
    %dma_wait3A_1273 = tpu.memref_slice %arg5[%dma_wait3A_1271, %dma_wait3A_1272] : memref<8192x1024xf32, #tpu.memory_space<any>> -> memref<512x1024xf32, #tpu.memory_space<any>>
    %dma_wait3A_1274 = arith.constant 0 : i32
    %dma_wait3A_1275 = arith.constant 0 : i32
    %dma_wait3A_1276 = tpu.memref_slice %arg7[%dma_wait3A_1267, %dma_wait3A_1274, %dma_wait3A_1275] : memref<8x512x1024xf32, #tpu.memory_space<vmem>> -> memref<1x512x1024xf32, #tpu.memory_space<vmem>>
    %dma_wait3A_1277 = tpu.memref_squeeze %dma_wait3A_1276 : memref<1x512x1024xf32, #tpu.memory_space<vmem>> -> memref<512x1024xf32, #tpu.memory_space<vmem>>
    tpu.wait_dma2 semaphore(%dma_wait3A_1270 : memref<!tpu.dma_semaphore, #tpu.memory_space<semaphore_mem>>) src(%dma_wait3A_1277 : memref<512x1024xf32, #tpu.memory_space<vmem>>) dst(%dma_wait3A_1273 : memref<512x1024xf32, #tpu.memory_space<any>>)
    %dma_wait3A_1278 = arith.constant 2 : i32
    %dma_wait3A_1279 = arith.constant 2 : i32
    %dma_wait3A_1280 = tpu.memref_slice %arg9[%dma_wait3A_1279] : memref<8x!tpu.dma_semaphore, #tpu.memory_space<semaphore_mem>> -> memref<1x!tpu.dma_semaphore, #tpu.memory_space<semaphore_mem>>
    %dma_wait3A_1281 = tpu.memref_squeeze %dma_wait3A_1280 : memref<1x!tpu.dma_semaphore, #tpu.memory_space<semaphore_mem>> -> memref<!tpu.dma_semaphore, #tpu.memory_space<semaphore_mem>>
    %dma_wait3A_1282 = arith.constant 5120 : i32
    %dma_wait3A_1283 = arith.constant 0 : i32
    %dma_wait3A_1284 = tpu.memref_slice %arg5[%dma_wait3A_1282, %dma_wait3A_1283] : memref<8192x1024xf32, #tpu.memory_space<any>> -> memref<512x1024xf32, #tpu.memory_space<any>>
    %dma_wait3A_1285 = arith.constant 0 : i32
    %dma_wait3A_1286 = arith.constant 0 : i32
    %dma_wait3A_1287 = tpu.memref_slice %arg7[%dma_wait3A_1278, %dma_wait3A_1285, %dma_wait3A_1286] : memref<8x512x1024xf32, #tpu.memory_space<vmem>> -> memref<1x512x1024xf32, #tpu.memory_space<vmem>>
    %dma_wait3A_1288 = tpu.memref_squeeze %dma_wait3A_1287 : memref<1x512x1024xf32, #tpu.memory_space<vmem>> -> memref<512x1024xf32, #tpu.memory_space<vmem>>
    tpu.wait_dma2 semaphore(%dma_wait3A_1281 : memref<!tpu.dma_semaphore, #tpu.memory_space<semaphore_mem>>) src(%dma_wait3A_1288 : memref<512x1024xf32, #tpu.memory_space<vmem>>) dst(%dma_wait3A_1284 : memref<512x1024xf32, #tpu.memory_space<any>>)
    %dma_wait3A_1289 = arith.constant 3 : i32
    %dma_wait3A_1290 = arith.constant 3 : i32
    %dma_wait3A_1291 = tpu.memref_slice %arg9[%dma_wait3A_1290] : memref<8x!tpu.dma_semaphore, #tpu.memory_space<semaphore_mem>> -> memref<1x!tpu.dma_semaphore, #tpu.memory_space<semaphore_mem>>
    %dma_wait3A_1292 = tpu.memref_squeeze %dma_wait3A_1291 : memref<1x!tpu.dma_semaphore, #tpu.memory_space<semaphore_mem>> -> memref<!tpu.dma_semaphore, #tpu.memory_space<semaphore_mem>>
    %dma_wait3A_1293 = arith.constant 5632 : i32
    %dma_wait3A_1294 = arith.constant 0 : i32
    %dma_wait3A_1295 = tpu.memref_slice %arg5[%dma_wait3A_1293, %dma_wait3A_1294] : memref<8192x1024xf32, #tpu.memory_space<any>> -> memref<512x1024xf32, #tpu.memory_space<any>>
    %dma_wait3A_1296 = arith.constant 0 : i32
    %dma_wait3A_1297 = arith.constant 0 : i32
    %dma_wait3A_1298 = tpu.memref_slice %arg7[%dma_wait3A_1289, %dma_wait3A_1296, %dma_wait3A_1297] : memref<8x512x1024xf32, #tpu.memory_space<vmem>> -> memref<1x512x1024xf32, #tpu.memory_space<vmem>>
    %dma_wait3A_1299 = tpu.memref_squeeze %dma_wait3A_1298 : memref<1x512x1024xf32, #tpu.memory_space<vmem>> -> memref<512x1024xf32, #tpu.memory_space<vmem>>
    tpu.wait_dma2 semaphore(%dma_wait3A_1292 : memref<!tpu.dma_semaphore, #tpu.memory_space<semaphore_mem>>) src(%dma_wait3A_1299 : memref<512x1024xf32, #tpu.memory_space<vmem>>) dst(%dma_wait3A_1295 : memref<512x1024xf32, #tpu.memory_space<any>>)
    %dma_wait3A_1300 = arith.constant 4 : i32
    %dma_wait3A_1301 = arith.constant 4 : i32
    %dma_wait3A_1302 = tpu.memref_slice %arg9[%dma_wait3A_1301] : memref<8x!tpu.dma_semaphore, #tpu.memory_space<semaphore_mem>> -> memref<1x!tpu.dma_semaphore, #tpu.memory_space<semaphore_mem>>
    %dma_wait3A_1303 = tpu.memref_squeeze %dma_wait3A_1302 : memref<1x!tpu.dma_semaphore, #tpu.memory_space<semaphore_mem>> -> memref<!tpu.dma_semaphore, #tpu.memory_space<semaphore_mem>>
    %dma_wait3A_1304 = arith.constant 6144 : i32
    %dma_wait3A_1305 = arith.constant 0 : i32
    %dma_wait3A_1306 = tpu.memref_slice %arg5[%dma_wait3A_1304, %dma_wait3A_1305] : memref<8192x1024xf32, #tpu.memory_space<any>> -> memref<512x1024xf32, #tpu.memory_space<any>>
    %dma_wait3A_1307 = arith.constant 0 : i32
    %dma_wait3A_1308 = arith.constant 0 : i32
    %dma_wait3A_1309 = tpu.memref_slice %arg7[%dma_wait3A_1300, %dma_wait3A_1307, %dma_wait3A_1308] : memref<8x512x1024xf32, #tpu.memory_space<vmem>> -> memref<1x512x1024xf32, #tpu.memory_space<vmem>>
    %dma_wait3A_1310 = tpu.memref_squeeze %dma_wait3A_1309 : memref<1x512x1024xf32, #tpu.memory_space<vmem>> -> memref<512x1024xf32, #tpu.memory_space<vmem>>
    tpu.wait_dma2 semaphore(%dma_wait3A_1303 : memref<!tpu.dma_semaphore, #tpu.memory_space<semaphore_mem>>) src(%dma_wait3A_1310 : memref<512x1024xf32, #tpu.memory_space<vmem>>) dst(%dma_wait3A_1306 : memref<512x1024xf32, #tpu.memory_space<any>>)
    %dma_wait3A_1311 = arith.constant 5 : i32
    %dma_wait3A_1312 = arith.constant 5 : i32
    %dma_wait3A_1313 = tpu.memref_slice %arg9[%dma_wait3A_1312] : memref<8x!tpu.dma_semaphore, #tpu.memory_space<semaphore_mem>> -> memref<1x!tpu.dma_semaphore, #tpu.memory_space<semaphore_mem>>
    %dma_wait3A_1314 = tpu.memref_squeeze %dma_wait3A_1313 : memref<1x!tpu.dma_semaphore, #tpu.memory_space<semaphore_mem>> -> memref<!tpu.dma_semaphore, #tpu.memory_space<semaphore_mem>>
    %dma_wait3A_1315 = arith.constant 6656 : i32
    %dma_wait3A_1316 = arith.constant 0 : i32
    %dma_wait3A_1317 = tpu.memref_slice %arg5[%dma_wait3A_1315, %dma_wait3A_1316] : memref<8192x1024xf32, #tpu.memory_space<any>> -> memref<512x1024xf32, #tpu.memory_space<any>>
    %dma_wait3A_1318 = arith.constant 0 : i32
    %dma_wait3A_1319 = arith.constant 0 : i32
    %dma_wait3A_1320 = tpu.memref_slice %arg7[%dma_wait3A_1311, %dma_wait3A_1318, %dma_wait3A_1319] : memref<8x512x1024xf32, #tpu.memory_space<vmem>> -> memref<1x512x1024xf32, #tpu.memory_space<vmem>>
    %dma_wait3A_1321 = tpu.memref_squeeze %dma_wait3A_1320 : memref<1x512x1024xf32, #tpu.memory_space<vmem>> -> memref<512x1024xf32, #tpu.memory_space<vmem>>
    tpu.wait_dma2 semaphore(%dma_wait3A_1314 : memref<!tpu.dma_semaphore, #tpu.memory_space<semaphore_mem>>) src(%dma_wait3A_1321 : memref<512x1024xf32, #tpu.memory_space<vmem>>) dst(%dma_wait3A_1317 : memref<512x1024xf32, #tpu.memory_space<any>>)
    %dma_wait3A_1322 = arith.constant 6 : i32
    %dma_wait3A_1323 = arith.constant 6 : i32
    %dma_wait3A_1324 = tpu.memref_slice %arg9[%dma_wait3A_1323] : memref<8x!tpu.dma_semaphore, #tpu.memory_space<semaphore_mem>> -> memref<1x!tpu.dma_semaphore, #tpu.memory_space<semaphore_mem>>
    %dma_wait3A_1325 = tpu.memref_squeeze %dma_wait3A_1324 : memref<1x!tpu.dma_semaphore, #tpu.memory_space<semaphore_mem>> -> memref<!tpu.dma_semaphore, #tpu.memory_space<semaphore_mem>>
    %dma_wait3A_1326 = arith.constant 7168 : i32
    %dma_wait3A_1327 = arith.constant 0 : i32
    %dma_wait3A_1328 = tpu.memref_slice %arg5[%dma_wait3A_1326, %dma_wait3A_1327] : memref<8192x1024xf32, #tpu.memory_space<any>> -> memref<512x1024xf32, #tpu.memory_space<any>>
    %dma_wait3A_1329 = arith.constant 0 : i32
    %dma_wait3A_1330 = arith.constant 0 : i32
    %dma_wait3A_1331 = tpu.memref_slice %arg7[%dma_wait3A_1322, %dma_wait3A_1329, %dma_wait3A_1330] : memref<8x512x1024xf32, #tpu.memory_space<vmem>> -> memref<1x512x1024xf32, #tpu.memory_space<vmem>>
    %dma_wait3A_1332 = tpu.memref_squeeze %dma_wait3A_1331 : memref<1x512x1024xf32, #tpu.memory_space<vmem>> -> memref<512x1024xf32, #tpu.memory_space<vmem>>
    tpu.wait_dma2 semaphore(%dma_wait3A_1325 : memref<!tpu.dma_semaphore, #tpu.memory_space<semaphore_mem>>) src(%dma_wait3A_1332 : memref<512x1024xf32, #tpu.memory_space<vmem>>) dst(%dma_wait3A_1328 : memref<512x1024xf32, #tpu.memory_space<any>>)
    %dma_wait3A_1333 = arith.constant 7 : i32
    %dma_wait3A_1334 = arith.constant 7 : i32
    %dma_wait3A_1335 = tpu.memref_slice %arg9[%dma_wait3A_1334] : memref<8x!tpu.dma_semaphore, #tpu.memory_space<semaphore_mem>> -> memref<1x!tpu.dma_semaphore, #tpu.memory_space<semaphore_mem>>
    %dma_wait3A_1336 = tpu.memref_squeeze %dma_wait3A_1335 : memref<1x!tpu.dma_semaphore, #tpu.memory_space<semaphore_mem>> -> memref<!tpu.dma_semaphore, #tpu.memory_space<semaphore_mem>>
    %dma_wait3A_1337 = arith.constant 7680 : i32
    %dma_wait3A_1338 = arith.constant 0 : i32
    %dma_wait3A_1339 = tpu.memref_slice %arg5[%dma_wait3A_1337, %dma_wait3A_1338] : memref<8192x1024xf32, #tpu.memory_space<any>> -> memref<512x1024xf32, #tpu.memory_space<any>>
    %dma_wait3A_1340 = arith.constant 0 : i32
    %dma_wait3A_1341 = arith.constant 0 : i32
    %dma_wait3A_1342 = tpu.memref_slice %arg7[%dma_wait3A_1333, %dma_wait3A_1340, %dma_wait3A_1341] : memref<8x512x1024xf32, #tpu.memory_space<vmem>> -> memref<1x512x1024xf32, #tpu.memory_space<vmem>>
    %dma_wait3A_1343 = tpu.memref_squeeze %dma_wait3A_1342 : memref<1x512x1024xf32, #tpu.memory_space<vmem>> -> memref<512x1024xf32, #tpu.memory_space<vmem>>
    tpu.wait_dma2 semaphore(%dma_wait3A_1336 : memref<!tpu.dma_semaphore, #tpu.memory_space<semaphore_mem>>) src(%dma_wait3A_1343 : memref<512x1024xf32, #tpu.memory_space<vmem>>) dst(%dma_wait3A_1339 : memref<512x1024xf32, #tpu.memory_space<any>>)
    return
  }
}

</mosaic_0001>

<sc_bundles>
// kernel: kernel.4.cloned.1.call-start
scs
__scs_entry_jumppad:
0x0: {  	(pc) =	sbr.rel $0x88, $3  }
0x1: {  	(tag) =	ssettag $0x0;
	lr =	simm.s32 $0x1  }
0x2: {  	[smem:$0x3F9B] =	sst lr;
	_ =	strace $0xD0000000  }
0x3: {  	_ = 	snop  }
0x4: {  	_ = 	snop  }
0x5: {  	_ = 	snop  }
0x6: {  	_ = 	snop  }
0x7: {  	_ = 	snop  }
__scs_overlays_trampoline_lowered:
0x8: {  	[smem:$0x3FAA] =	sst s0  }
0x9: {  	[smem:$0x3FAB] =	sst s1  }
0xa: {  	[smem:$0x3FAC] =	sst s2  }
0xb: {  	[smem:$0x3FAD] =	sst s3  }
0xc: {  	[smem:$0x3FAE] =	sst s4  }
0xd: {  	[smem:$0x3FAF] =	sst s5  }
0xe: {  	[smem:$0x3FB0] =	sst s6  }
0xf: {  	[smem:$0x3FB1] =	sst s7  }
0x10: {  	[smem:$0x3FB2] =	sst s8  }
0x11: {  	[smem:$0x3FB3] =	sst s9;
	s0 =	simm.s32 @!p0 $0x0  }
0x12: {  	s1 =	sld [smem:$0x3F99];
	s0 =	simm.s32 @p0 $0x1  }
0x13: {  	[smem:$0x3FB4] =	sst s0;
	s0 =	simm.s32 @!p1 $0x0  }
0x14: {  	s2 =	sld [smem:$0x3F98];
	s0 =	simm.s32 @p1 $0x1  }
0x15: {  	[smem:$0x3FB5] =	sst s0;
	s0 =	simm.s32 @!p2 $0x0  }
0x16: {  	s3 =	sld [smem:$0x3FDB];
	s0 =	simm.s32 @p2 $0x1  }
0x17: {  	s4 =	simm.s32 $0x1BF5;
	[smem:$0x3FB7] =	sst s0  }
0x18: {  	s0 =	sld [smem:$0x3F9A];
	_ =	swait.ge [sflag:s4], $0x0  }
0x19: {  	s7 =	sld [smem:$0x3F9B]  }
0x1a: {  	s8 =	sadd.s32 $0xFFFFE003, lr  }
0x1b: {  	s9 =	sadd.s32 $0xFFFFFEF7, lr;
	s5 =	simm.s32 $0xFFFFFFFF;
	p2 =	slt.u32 s8, $0xFFFFF086  }
0x1c: {  	p1 =	slt.u32 s9, $0xF7A;
	s5 =	simm.s32 @!p2 $0x0  }
0x1d: {  	s5 =	simm.s32 @p1 $0x1;
	p0 =	seq.s32 s7, s2  }
0x1e: {  	s7 =	smul.u32 @!p0 $0xF7A, s2;
	p2 =	seq.s32 @!p0 s5, $0x0  }
0x1f: {  	s9 =	smul.u32 $0xF7A, s1;
	s8 =	simm.s32 @!p0 $0x1BF5;
	p2 =	por !p2, p0  }
0x20: {  	[sflag:s8] =	ssyncset.s32 @!p0 $0xFFFFF086;
	s6 =	sadd.s32 @!p0 s3, s7;
	s7 =	simm.s32 @!p0 $0x108  }
0x21: {  	s3 =	sadd.s32 s3, s9;
	s6 =	sadd.s32 @!p0 $0x88, s6;
	s7 =	simm.s32 @p2 $0x1082  }
0x22: {  	[simem:s7], [sflag:s8] =	dma.local @!p0 [hbm:s6], $0xF7A  }
0x23: {  	s9 =	sor.u32 $0xD0000000, s2;
	s6 =	simm.s32 $0x108;
	_ =	swait.ge @!p0 [sflag:s8], $0x0  }
0x24: {  	s3 =	sadd.s32 $0x88, s3;
	s6 =	simm.s32 @!p1 $0x1082;
	[sflag:s4] =	ssyncset.s32 $0xFFFFF086  }
0x25: {  	[simem:s6], [sflag:s4] =	dma.local [hbm:s3], $0xF7A  }
0x26: {  	[smem:$0x3F9B] =	sst s1;
	(tag) =	ssettag s2;
	_ =	strace s9  }
0x27: {  	s1 =	sld [smem:$0x3FAB]  }
0x28: {  	s2 =	sld [smem:$0x3FAC]  }
0x29: {  	s4 =	sld [smem:$0x3FAE]  }
0x2a: {  	p0 =	seq.s32 s5, $0x0;
	s5 =	sld [smem:$0x3FAF]  }
0x2b: {  	s6 =	sld [smem:$0x3FB0]  }
0x2c: {  	s7 =	sld [smem:$0x3FB1]  }
0x2d: {  	s3 =	simm.s32 $0x108;
	s8 =	sld [smem:$0x3FB2]  }
0x2e: {  	s3 =	simm.s32 @!p0 $0x1082;
	s9 =	sld [smem:$0x3FB3]  }
0x2f: {  	lr =	sadd.s32 s0, s3;
	s0 =	sld [smem:$0x3FAA]  }
0x30: {  	s3 =	sld [smem:$0x3FAD]  }
0x31: {  	[smem:$0x3FB6] =	sst s10  }
0x32: {  	s10 =	sld [smem:$0x3FB4];
	_ =	sdelay $0x3  }
0x33: {  	p0 =	seq.s32 s10, $0x1;
	s10 =	sld [smem:$0x3FB6];
	_ =	sdelay $0x3  }
0x34: {  	[smem:$0x3FB6] =	sst s10  }
0x35: {  	s10 =	sld [smem:$0x3FB5];
	_ =	sdelay $0x3  }
0x36: {  	p1 =	seq.s32 s10, $0x1;
	s10 =	sld [smem:$0x3FB6];
	_ =	sdelay $0x3  }
0x37: {  	[smem:$0x3FB6] =	sst s10  }
0x38: {  	s10 =	sld [smem:$0x3FB7]  }
0x39: {  	_ = 	snop;
	(pc) =	sbr.ind lr, $3  }
0x3a: {  	_ = 	snop  }
0x3b: {  	_ = 	snop  }
0x3c: {  	p2 =	seq.s32 s10, $0x1;
	s10 =	sld [smem:$0x3FB6]  }
0x3d: {  	_ =	shalt  }
0x3e: {  	_ =	shalt  }
0x3f: {  	_ =	shalt  }
0x40: {  	_ =	shalt  }
0x41: {  	_ =	shalt  }
0x42: {  	_ =	shalt  }
0x43: {  	_ =	shalt  }
0x44: {  	_ =	shalt  }
0x45: {  	_ =	shalt  }
0x46: {  	_ =	shalt  }
0x47: {  	_ =	shalt  }
0x48: {  	_ =	shalt  }
0x49: {  	_ =	shalt  }
0x4a: {  	_ =	shalt  }
0x4b: {  	_ =	shalt  }
0x4c: {  	_ =	shalt  }
0x4d: {  	_ =	shalt  }
0x4e: {  	_ =	shalt  }
0x4f: {  	_ =	shalt  }
0x50: {  	_ =	shalt  }
0x51: {  	_ =	shalt  }
0x52: {  	_ =	shalt  }
0x53: {  	_ =	shalt  }
0x54: {  	_ =	shalt  }
0x55: {  	_ =	shalt  }
0x56: {  	_ =	shalt  }
0x57: {  	_ =	shalt  }
0x58: {  	_ =	shalt  }
0x59: {  	_ =	shalt  }
0x5a: {  	_ =	shalt  }
0x5b: {  	_ =	shalt  }
0x5c: {  	_ =	shalt  }
0x5d: {  	_ =	shalt  }
0x5e: {  	_ =	shalt  }
0x5f: {  	_ =	shalt  }
0x60: {  	_ =	shalt  }
0x61: {  	_ =	shalt  }
0x62: {  	_ =	shalt  }
0x63: {  	_ =	shalt  }
0x64: {  	_ =	shalt  }
0x65: {  	_ =	shalt  }
0x66: {  	_ =	shalt  }
0x67: {  	_ =	shalt  }
0x68: {  	_ =	shalt  }
0x69: {  	_ =	shalt  }
0x6a: {  	_ =	shalt  }
0x6b: {  	_ =	shalt  }
0x6c: {  	_ =	shalt  }
0x6d: {  	_ =	shalt  }
0x6e: {  	_ =	shalt  }
0x6f: {  	_ =	shalt  }
0x70: {  	_ =	shalt  }
0x71: {  	_ =	shalt  }
0x72: {  	_ =	shalt  }
0x73: {  	_ =	shalt  }
0x74: {  	_ =	shalt  }
0x75: {  	_ =	shalt  }
0x76: {  	_ =	shalt  }
0x77: {  	_ =	shalt  }
0x78: {  	_ =	shalt  }
0x79: {  	_ =	shalt  }
0x7a: {  	_ =	shalt  }
0x7b: {  	_ =	shalt  }
0x7c: {  	_ =	shalt  }
0x7d: {  	_ =	shalt  }
0x7e: {  	_ =	shalt  }
0x7f: {  	_ =	shalt  }
0x80: {  	_ =	shalt  }
0x81: {  	_ =	shalt  }
0x82: {  	_ =	shalt  }
0x83: {  	_ =	shalt  }
0x84: {  	_ =	shalt  }
0x85: {  	_ =	shalt  }
0x86: {  	_ =	shalt  }
0x87: {  	_ =	shalt  }
.Lfunc_end0:
.L_simem_size_0:
called_computation_lowered:
.L_overlay_start_0:
0x88: {  	s2 =	sld [smem:$0x3FD9]  }
0x89: {  	s3 =	sld [smem:$0x3FFE];
	_ =	sdelay $0x1  }
0x8a: {  	s1 =	srdreg.scid  }
0x8b: {  	s0 =	sand.u32 $0x1, s1  }
0x8c: {  	s18 =	sshll.u32 s0, $0xA;
	s2 =	sadd.s32 s3, s2  }
0x8d: {  	s2 =	sadd.s32 s2, s18  }
0x8e: {  	[smem:$0x3FC2] =	sst s2  }
0x8f: {  	_ = 	snop  }
0x90: {  	s2 =	sld [smem:$0x3FC9]  }
0x91: {  	s19 =	sld [smem:$0x3FC8]  }
0x92: {  	s4 =	sld [smem:$0x3FD0];
	(tm) =	ssettm $0x1  }
0x93: {  	s5 =	sld [smem:$0x3FFB];
	_ =	sdelay $0x3  }
0x94: {  	_ =	strace s5  }
0x95: {  	s5 =	sld [smem:$0x3FFC];
	_ =	sdelay $0x3  }
0x96: {  	_ =	strace s5  }
0x97: {  	s5 =	sld [smem:$0x3FFD];
	_ =	sdelay $0x3  }
0x98: {  	_ =	strace s5  }
0x99: {  	_ =	strace $0x8FFFFFFF  }
0x9a: {  	s20 =	sld [smem:$0x3FDB];
	_ =	sdelay $0x1  }
0x9b: {  	s6 =	simm.s32 $_scs_section_size  }
0x9c: {  	s7 =	simm.s32 $_size__tile_overlayer_lowered;
	s8 =	simm.s32 $_tile_overlayer_lowered  }
0x9d: {  	s23 =	simm.s32 $0x1BFF;
	s22 =	sshll.u32 s8, $0x1;
	s5 =	sadd.s32 s6, s20  }
0x9e: {  	s9 =	simm.s32 $0x0;
	s21 =	sshll.u32 s7, $0x1;
	s7 =	sadd.s32 s22, s5  }
0x9f: {  	[timem:s9], [sflag:s23] =	dma.local [hbm:s7], s21  }
0xa0: {  	_ =	swait.ge [sflag:s23], s21  }
0xa1: {  	s6 =	ssub.s32 $0x0, s21;
	[sflag:s23] =	ssyncset.done $0x0  }
0xa2: {  	[sflag:s23] =	ssyncadd.s32 s6;
	_ =	sdelay $0x1  }
0xa3: {  	s24 =	simm.s32 $0x1B8B  }
0xa4: {  	_ =	swait.ge [sflag:s24], $0x1  }
0xa5: {  	[sflag:s24] =	ssyncset.done $0x0  }
0xa6: {  	s25 =	simm.s32 $0x1B8E;
	[sflag:s24] =	ssyncadd.s32 $0xFFFFFFFF  }
0xa7: {  	s26 =	simm.s32 $execute0_lowered;
	[smem:$0x3FD2] =	sst s25  }
0xa8: {  	s6 =	sshll.u32 s26, $0x1;
	_ =	strace $0x80000046;
	[dreg:$0x1] =	wrdreg $0xFFFFFFFF  }
0xa9: {  	s28 =	simm.s32 $_size_execute0_lowered;
	s5 =	sadd.s32 s5, s6;
	[dreg:$0x0] =	wrdreg $0x0  }
0xaa: {  	s6 =	sshll.u32 s28, $0x1;
	[dreg:$0x2] =	wrdreg s5  }
0xab: {  	[dreg:$0x3] =	wrdreg s6  }
0xac: {  	[dreg:$0x4] =	wrdreg $0xC0  }
0xad: {  	_ =	task [dreg:s9], $0x5FFFF  }
0xae: {  	[dreg:$0x1] =	wrdreg $0xFFFFFFFF  }
0xaf: {  	[dreg:$0x0] =	wrdreg $0x60  }
0xb0: {  	[dreg:$0x2] =	wrdreg s2  }
0xb1: {  	[dreg:$0x3] =	wrdreg s19  }
0xb2: {  	[dreg:$0x4] =	wrdreg s4  }
0xb3: {  	[dreg:$0x5] =	wrdreg $0x9  }
0xb4: {  	_ =	task.clear_ibuf [dreg:s9], $0x6FFFF;
	_ =	strace $0x90000046  }
0xb5: {  	s29 =	simm.s32 $0x9;
	_ =	strace $0x80000048  }
0xb6: {  	_ =	swait.ge [sflag:s29], $0x1  }
0xb7: {  	[sflag:s29] =	ssyncadd.s32 $0xFFFFFFFF  }
0xb8: {  	_ =	strace $0x90000048  }
0xb9: {  	_ =	sfence  }
0xba: {  	s30 =	sld [smem:$0x0];
	_ =	sdelay $0x2  }
0xbb: {  	s31 =	sshll.u32 s1, $0xD;
	s1 =	sshrl.u32 s1, $0x2  }
0xbc: {  	s3 =	sand.u32 $0x4000, s31;
	s1 =	sadd.s32 s1, s30  }
0xbd: {  	s0 =	sor.u32 s3, s0;
	s1 =	sshll.u32 s1, $0x11  }
0xbe: {  	s0 =	sor.u32 s1, s0  }
0xbf: {  	s0 =	sadd.s32 $0x8F2B, s0  }
0xc0: {  	[sflag:s0] =	ssyncadd.remote.s32 $0x1  }
0xc1: {  	_ =	sfence.sel $0xFFFF  }
0xc2: {  	[dreg:$0x0] =	wrdreg $0xFFFFFFFF;
	(pc) =	sbr.abs _section_cstart, $3  }
0xc3: {  	[dreg:$0x1] =	wrdreg $0xFFFFFFFF  }
0xc4: {  	_ =	task.clear_ibuf [dreg:s9], $0x2FFFF;
	_ =	strace $0x9FFFFFFF  }
0xc5: {  	(tm) =	ssettm $0x7FFFFFFF  }
tec
execute0_lowered:
.L_overlay_start_1:
0x0: {  	(tag) =	ssettag $0x1  }
0x1: {  	s1 =	srdreg.scid  }
0x2: {  	s0 =	stileid.u32;
	s11 =	sand.u32 $0x1, s1  }
0x3: {  	s30 =	sshll.u32 s0, $0x9;
	s2 =	sshll.u32 s11, $0x8  }
0x4: {  	s4 =	rddreg [dreg:$0x0];
	s12 =	sor.u32 s2, s30  }
0x5: {  	s13 =	rddreg [dreg:$0x2];
	s3 =	sshll.u32 s0, $0x5;
	s1 =	sshll.u32 s12, $0x2  }
0x6: {  	s7 =	simm.s32 $0x200;
	s2 =	rddreg [dreg:$0x1];
	s5 =	sor.u32 s3, s1  }
0x7: {  	s1 =	rddreg [dreg:$0x3];
	s3 =	simm.s32 $0x0;
	s5 =	sand.u32 $0x1D80, s5  }
0x8: {  	s6 =	simm.s32 $0x3;
	[smem:$0x7FF] =	sst s3;
	s5 =	sshrl.u32 s5, $0x3  }
0x9: {  	_ =	strace $0x80000047;
	s4 =	sadd.s32 s4, s5;
	s5 =	simm.s32 $0x80  }
0xa: {  	[tilespmem:s3], [sflag:$0x3] =	stream.strided.gather [hbm4b:s4+s5], $0x100, s7, s5, $0x38;
	[tilespmem:$0x8100] =	vst v63  }
0xb: {  	_ =	swait.ge [sflag:s6], $0x100  }
0xc: {  	[sflag:s6] =	ssyncset.done $0x0  }
0xd: {  	s8 =	simm.s32 $0x100;
	[sflag:s6] =	ssyncadd.s32 $0xFFFFFF00  }
0xe: {  	[tilespmem:s8], [sflag:$0x1] =	stream.indirect.gather [hbm4b:s2+s5], $0x80, s3, s5, $0xb8;
	[tilespmem:$0x8100] =	vst v63  }
0xf: {  	s9 =	simm.s32 $0x4100;
	s10 =	simm.s32 $0x1;
	s14 =	ssub.s32 $0x2, s11  }
0x10: {  	[tilespmem:s9], [sflag:$0x2] =	stream.indirect.gather [hbm4b:s2+s5], $0x80, s5, s5, $0xb8;
	[tilespmem:$0x8100] =	vst v63  }
0x11: {  	s15 =	sshrl.u32 s14, $0x1;
	_ =	swait.ge [sflag:s10], $0x4000  }
0x12: {  	s14 =	ssub.s32 s14, s15;
	[sflag:s10] =	ssyncset.done $0x0  }
0x13: {  	s11 =	simm.s32 $0x2;
	s31 =	smax.u32 s14, $0x1;
	[sflag:s10] =	ssyncadd.s32 $0xFFFFC000  }
0x14: {  	p0 =	sne.s32 s31, $0x1;
	_ =	swait.ge [sflag:s11], $0x4000  }
.Ltmp0:
0x15: {  	s12 =	sshll.u32 s12, $0x4;
	[sflag:s11] =	ssyncset.done $0x0;
	(pc) =	sbr.rel @!p0 .LBB2_2-.Ltmp0, $4  }
0x16: {  	s12 =	sadd.s32 s13, s12;
	[sflag:s11] =	ssyncadd.s32 $0xFFFFC000  }
0x17: {  	[hbm4b:s12+s3] =	stream.linear.scatter [tilespmem:s8], [sflag:$0x3], $0x8000, $0x38;
	[tilespmem:$0x8100] =	vst v63  }
0x18: {  	_ =	swait.ge [sflag:s6], $0x8000  }
0x19: {  	s13 =	sadd.s32 $0xFFFFFFFF, s31;
	[sflag:s6] =	ssyncset.done $0x0  }
.LBB2_1:
0x1a: {  	p0 =	sne.s32 s13, $0x1;
	s13 =	sadd.s32 $0xFFFFFFFF, s13;
	[sflag:s6] =	ssyncadd.s32 $0xFFFF8000  }
0x1b: {  	[tilespmem:s3], [sflag:$0x3] =	stream.strided.gather [hbm4b:s4+s5], $0x100, s7, s5, $0x38;
	[tilespmem:$0x8100] =	vst v63  }
0x1c: {  	_ =	swait.ge [sflag:s6], $0x100  }
0x1d: {  	[sflag:s6] =	ssyncset.done $0x0  }
0x1e: {  	[sflag:s6] =	ssyncadd.s32 $0xFFFFFF00  }
0x1f: {  	[tilespmem:s8], [sflag:$0x1] =	stream.indirect.gather [hbm4b:s2+s5], $0x80, s3, s5, $0xb8;
	[tilespmem:$0x8100] =	vst v63  }
0x20: {  	_ = 	snop  }
0x21: {  	[tilespmem:s9], [sflag:$0x2] =	stream.indirect.gather [hbm4b:s2+s5], $0x80, s5, s5, $0xb8;
	[tilespmem:$0x8100] =	vst v63  }
0x22: {  	_ =	swait.ge [sflag:s10], $0x4000  }
0x23: {  	[sflag:s10] =	ssyncset.done $0x0  }
0x24: {  	[sflag:s10] =	ssyncadd.s32 $0xFFFFC000  }
0x25: {  	_ =	swait.ge [sflag:s11], $0x4000  }
.Ltmp1:
0x26: {  	[sflag:s11] =	ssyncset.done $0x0;
	(pc) =	sbr.rel @p0 .LBB2_1-.Ltmp1, $4  }
0x27: {  	[sflag:s11] =	ssyncadd.s32 $0xFFFFC000  }
0x28: {  	[hbm4b:s12+s3] =	stream.linear.scatter [tilespmem:s8], [sflag:$0x3], $0x8000, $0x38;
	[tilespmem:$0x8100] =	vst v63  }
0x29: {  	_ =	swait.ge [sflag:s6], $0x8000  }
0x2a: {  	[sflag:s6] =	ssyncset.done $0x0  }
.LBB2_2:
0x2b: {  	[sflag:s6] =	ssyncadd.s32 $0xFFFF8000  }
0x2c: {  	_ =	sfence.sel $0x180000  }
0x2d: {  	[bflag:$0x0] =	sbarrier.arrive $0xFFFF  }
0x2e: {  	p0 =	sne.s32 s0, $0x0;
	_ =	strace $0x90000047  }
0x2f: {  	s0 =	sadd.s32 @!p0 $0x100000, s1;
	[bflag:$0x2] =	sbarrier.arrive $0xFFFF  }
0x30: {  	[sflag:s0] =	ssyncadd.tile.s32 @!p0 $0x1;
	_ =	shalt  }
.Lfunc_end2:
_tile_overlayer_lowered:
.L_overlay_start_2:
0x31: {  	(tag) =	ssettag $0x2  }
0x32: {  	s0 =	rddreg [dreg:$0x0];
	s2 =	stileid.u32  }
0x33: {  	s1 =	rddreg [dreg:$0x1];
	p0 =	sne.s32 s2, $0x0  }
0x34: {  	s3 =	rddreg [dreg:$0x2];
	[bflag:$0x3] =	sbarrier.arrive $0xFFFF;
	s2 =	simm.s32 @!p0 $0x1C03  }
0x35: {  	[timem:s3], [sflag:s2] =	dma.local @!p0 [hbm:s0], s1  }
0x36: {  	s0 =	simm.s32 @!p0 $0x3  }
0x37: {  	_ =	swait.ge @!p0 [sflag:s0], s1  }
0x38: {  	s1 =	ssub.s32 @!p0 $0x0, s1;
	[sflag:s0] =	ssyncset.done @!p0 $0x0  }
0x39: {  	[sflag:s0] =	ssyncadd.s32 @!p0 s1  }
0x3a: {  	[bflag:$0x3] =	sbarrier.arrive $0xFFFF  }
0x3b: {  	_ =	shalt  }

</sc_bundles>
